<compile_context>
chip_gen: v7x
topology: tpu7x:2x2x1
jax: 0.10.2.dev20260603
libtpu: 0.0.44.dev20260713+nightly
codegen_flags: <defaults>
</compile_context>

<pallas_src>
import functools

import jax
import jax.numpy as jnp
from jax import lax
from jax.experimental import pallas as pl
from jax.experimental.pallas import tpu as pltpu
from jax.experimental.pallas import tpu_sc as plsc

VOCAB = 100000
D = 64
BATCH = 4096
SEQ = 200

NC = 2
NS = 16
NW = NC * NS

BBLK = BATCH // NW
LANES = 16
NBB = BBLK // LANES
TPITCH = 133


def _pos_encoding():
    even_i = jnp.arange(0, D, 2).astype(jnp.float32)
    denominator = jnp.power(10000.0, even_i / D)
    position = jnp.arange(SEQ).reshape(SEQ, 1).astype(jnp.float32)
    even_pe = jnp.sin(position / denominator)
    odd_pe = jnp.cos(position / denominator)
    return jnp.stack([even_pe, odd_pe], axis=2).reshape(SEQ, D)


_mesh = plsc.VectorSubcoreMesh(core_axis_name="c", subcore_axis_name="s")


@functools.partial(
    pl.kernel,
    mesh=_mesh,
    compiler_params=pltpu.CompilerParams(use_tc_tiling_on_sc=False,
                                         needs_layout_passes=False),
    out_type=jax.ShapeDtypeStruct((SEQ, D // 8, BATCH // BBLK, 8, BBLK),
                                  jnp.float32),
    scratch_types=[
        pltpu.VMEM((SEQ, BBLK), jnp.int32),
        pltpu.VMEM((SEQ, D), jnp.float32),
        pltpu.VMEM((BBLK, D), jnp.float32),
        pltpu.VMEM((BBLK, D), jnp.float32),
        pltpu.VMEM((D // 8, 8, TPITCH), jnp.float32),
        pltpu.VMEM((D // 8, 8, TPITCH), jnp.float32),
        pltpu.SemaphoreType.DMA,
        pltpu.SemaphoreType.DMA,
        pltpu.SemaphoreType.DMA,
        pltpu.SemaphoreType.DMA,
    ],
)
def _emb_kernel(idx_hbm, table_hbm, pe_hbm, out_hbm,
                idx_v, pe_v, gbuf0, gbuf1, tbuf0, tbuf1,
                semg0, semg1, semo0, semo1):
    wid = lax.axis_index("s") * NC + lax.axis_index("c")

    pltpu.sync_copy(idx_hbm.at[:, pl.ds(wid * BBLK, BBLK)], idx_v)
    pltpu.sync_copy(pe_hbm, pe_v)

    gbufs = (gbuf0, gbuf1)
    tbufs = (tbuf0, tbuf1)
    semgs = (semg0, semg1)
    semos = (semo0, semo1)

    iota = lax.broadcasted_iota(jnp.int32, (LANES,), 0)
    scat_d0 = [(k * LANES + iota) // 8 for k in range(D // LANES)]
    scat_d1 = [(k * LANES + iota) % 8 for k in range(D // LANES)]

    pltpu.async_copy(table_hbm.at[idx_v.at[0]], gbuf0, semg0)
    pltpu.async_copy(table_hbm.at[idx_v.at[1]], gbuf1, semg1)

    def outer(i, carry):
        l0 = i * 2
        for b in range(2):
            l = l0 + b
            gbuf, tbuf = gbufs[b], tbufs[b]
            semg, semo = semgs[b], semos[b]

            pltpu.make_async_copy(table_hbm.at[idx_v.at[l]], gbuf, semg).wait()
            @pl.when(l >= 2)
            def _drain(_tbuf=tbuf, _semo=semo):
                pltpu.make_async_copy(_tbuf.at[:, :, pl.ds(0, BBLK)],
                                      out_hbm.at[0, :, wid], _semo).wait()

            pe_rows = [pe_v[l, pl.ds(k * LANES, LANES)] for k in range(D // LANES)]

            def row(r, cc, _gbuf=gbuf, _tbuf=tbuf):
                rvec = jnp.full((LANES,), r, jnp.int32)
                for k in range(D // LANES):
                    v = _gbuf[r, pl.ds(k * LANES, LANES)] + pe_rows[k]
                    plsc.store_scatter(_tbuf, [scat_d0[k], scat_d1[k], rvec], v)
                return cc

            lax.fori_loop(0, BBLK, row, 0, unroll=4)

            pltpu.async_copy(tbuf.at[:, :, pl.ds(0, BBLK)],
                             out_hbm.at[l, :, wid], semo)

            @pl.when(l + 2 < SEQ)
            def _refill(_gbuf=gbuf, _semg=semg, _l=l):
                pltpu.async_copy(table_hbm.at[idx_v.at[_l + 2]], _gbuf, _semg)

        return carry

    lax.fori_loop(0, SEQ // 2, outer, 0)

    pltpu.make_async_copy(tbuf0.at[:, :, pl.ds(0, BBLK)],
                          out_hbm.at[0, :, wid], semo0).wait()
    pltpu.make_async_copy(tbuf1.at[:, :, pl.ds(0, BBLK)],
                          out_hbm.at[0, :, wid], semo1).wait()


def kernel(indices, table):
    pe = _pos_encoding()
    idx_t = indices.astype(jnp.int32).T
    out5 = _emb_kernel(idx_t, table, pe)
    return out5.transpose((2, 4, 0, 1, 3)).reshape(BATCH, SEQ, D)

# --- scband reference (transcript-rebuilt; emitter-appended) ---
"""Pipeline reference for scband-sequence-embedding-39565238730783 (READ-ONLY COPY).

The authoritative reference and input builder live on the scoring server;
editing this copy changes nothing except your own understanding.
"""

import jax, jax.numpy as jnp
import numpy as np

VOCAB = 100000
D_MODEL = 64
BATCH = 4096
SEQ = 200


def positional_encoding(max_sequence_length, d_model):
    even_i = jnp.arange(0, d_model, 2).astype(jnp.float32)
    denominator = jnp.power(10000.0, even_i / d_model)
    position = jnp.arange(max_sequence_length).reshape(max_sequence_length, 1).astype(jnp.float32)
    even_PE = jnp.sin(position / denominator)
    odd_PE = jnp.cos(position / denominator)
    stacked = jnp.stack([even_PE, odd_PE], axis=2)
    PE = stacked.reshape(max_sequence_length, d_model)
    return PE


def setup_inputs(seed: int = 0) -> dict:
    key = jax.random.key(seed)
    k_idx, k_tab = jax.random.split(key)
    indices = jax.random.randint(k_idx, (BATCH, SEQ), 0, VOCAB, dtype=jnp.int64 if jax.config.jax_enable_x64 else jnp.int32)
    table = jax.random.normal(k_tab, (VOCAB, D_MODEL), dtype=jnp.float32)
    return {"indices": indices, "table": table}


def reference(indices, table):
    # Embedding lookup (nn.Embedding): gather rows of the table
    emb = jnp.take(table, indices, axis=0)  # [B, L, d_model]
    # Positional encoding added to every sequence
    pos = positional_encoding(SEQ, D_MODEL)  # [L, d_model]
    out = emb + pos[None, :, :]
    # Dropout(p=0.1) is identity in eval mode
    return out

if __name__ == "__main__":
    import jax
    _d = setup_inputs()
    print(jax.jit(kernel)(*tuple(_d.values())))

</pallas_src>

<mosaic_0001>
#map = affine_map<(d0, d1) -> (0, 0)>
#map1 = affine_map<(d0, d1) -> (0, 0, 0, 0, 0)>
module attributes {stable_mosaic.version = 14 : i64} {
  func.func @_emb_kernel(%arg0: i32, %arg1: i32, %arg2: memref<200x4096xi32, #tpu.memory_space<hbm>>, %arg3: memref<100000x64xf32, #tpu.memory_space<hbm>>, %arg4: memref<200x64xf32, #tpu.memory_space<hbm>>, %arg5: memref<200x8x32x8x128xf32, #tpu.memory_space<hbm>>, %arg6: memref<200x128xi32, #tpu.memory_space<vmem>>, %arg7: memref<200x64xf32, #tpu.memory_space<vmem>>, %arg8: memref<128x64xf32, #tpu.memory_space<vmem>>, %arg9: memref<128x64xf32, #tpu.memory_space<vmem>>, %arg10: memref<8x8x133xf32, #tpu.memory_space<vmem>>, %arg11: memref<8x8x133xf32, #tpu.memory_space<vmem>>, %arg12: memref<!tpu.dma_semaphore, #tpu.memory_space<semaphore_mem>>, %arg13: memref<!tpu.dma_semaphore, #tpu.memory_space<semaphore_mem>>, %arg14: memref<!tpu.dma_semaphore, #tpu.memory_space<semaphore_mem>>, %arg15: memref<!tpu.dma_semaphore, #tpu.memory_space<semaphore_mem>>) attributes {dimension_semantics = [#tpu.dimension_semantics<core_parallel>, #tpu.dimension_semantics<subcore_parallel>], iteration_bounds = array<i64: 2, 16>, scalar_prefetch = 0 : i64, scratch_operands = 10 : i64, tpu.core_type = #tpu.core_type<sc_vector_subcore>, window_params = [{transform_indices = #map}, {transform_indices = #map}, {transform_indices = #map}, {transform_indices = #map1}]} {
    %mul3A = arith.constant 2 : i32
    %mul3A_0 = arith.muli %arg1, %mul3A : i32
    %add3A = arith.addi %mul3A_0, %arg0 : i32
    %mul3A_1 = arith.constant 128 : i32
    %mul3A_2 = arith.muli %add3A, %mul3A_1 : i32
    "tpu.region"() ({
      %run_scoped3A = tpu.sem_alloc : memref<!tpu.dma_semaphore, #tpu.memory_space<semaphore_mem>>
      %dma_start3A_284 = arith.constant 0 : i32
      %dma_start3A_285 = tpu.memref_slice %arg2[%dma_start3A_284, %mul3A_2] : memref<200x4096xi32, #tpu.memory_space<hbm>> -> memref<200x128xi32, #tpu.memory_space<hbm>>
      %dma_start3A_286 = arith.constant 0 : i32
      %dma_start3A_287 = tpu.memref_slice %arg2[%dma_start3A_286, %mul3A_2] : memref<200x4096xi32, #tpu.memory_space<hbm>> -> memref<200x128xi32, #tpu.memory_space<hbm>>
      tpu.enqueue_dma source(%dma_start3A_287 : memref<200x128xi32, #tpu.memory_space<hbm>>) target(%arg6 : memref<200x128xi32, #tpu.memory_space<vmem>>) target_semaphore(%run_scoped3A : memref<!tpu.dma_semaphore, #tpu.memory_space<semaphore_mem>>)
      %dma_wait3A_288 = arith.constant 0 : i32
      %dma_wait3A_289 = tpu.memref_slice %arg2[%dma_wait3A_288, %mul3A_2] : memref<200x4096xi32, #tpu.memory_space<hbm>> -> memref<200x128xi32, #tpu.memory_space<hbm>>
      %dma_wait3A_290 = arith.constant 0 : i32
      %dma_wait3A_291 = tpu.memref_slice %arg2[%dma_wait3A_290, %mul3A_2] : memref<200x4096xi32, #tpu.memory_space<hbm>> -> memref<200x128xi32, #tpu.memory_space<hbm>>
      tpu.wait_dma2 semaphore(%run_scoped3A : memref<!tpu.dma_semaphore, #tpu.memory_space<semaphore_mem>>) src(%dma_wait3A_291 : memref<200x128xi32, #tpu.memory_space<hbm>>) dst(%arg6 : memref<200x128xi32, #tpu.memory_space<vmem>>)
      tpu.yield
    }) : () -> ()
    "tpu.region"() ({
      %run_scoped3A = tpu.sem_alloc : memref<!tpu.dma_semaphore, #tpu.memory_space<semaphore_mem>>
      tpu.enqueue_dma source(%arg4 : memref<200x64xf32, #tpu.memory_space<hbm>>) target(%arg7 : memref<200x64xf32, #tpu.memory_space<vmem>>) target_semaphore(%run_scoped3A : memref<!tpu.dma_semaphore, #tpu.memory_space<semaphore_mem>>)
      tpu.wait_dma2 semaphore(%run_scoped3A : memref<!tpu.dma_semaphore, #tpu.memory_space<semaphore_mem>>) src(%arg4 : memref<200x64xf32, #tpu.memory_space<hbm>>) dst(%arg7 : memref<200x64xf32, #tpu.memory_space<vmem>>)
      tpu.yield
    }) : () -> ()
    %iota3A = tpu.iota {dimensions = array<i32: 0>} : vector<16xi32>
    %add3A_3 = arith.constant 0 : i32
    %add3A_4 = vector.broadcast %add3A_3 : i32 to vector<16xi32>
    %add3A_5 = arith.addi %add3A_4, %iota3A : vector<16xi32>
    %jit3A = arith.constant 8 : i32
    %div3A = vector.broadcast %jit3A : i32 to vector<16xi32>
    %div3A_6 = arith.divsi %add3A_5, %div3A : vector<16xi32>
    %sign3A = arith.constant 0 : i32
    %sign3A_7 = vector.broadcast %sign3A : i32 to vector<16xi32>
    %sign3A_8 = arith.cmpi sgt, %add3A_5, %sign3A_7 : vector<16xi32>
    %sign3A_9 = arith.extui %sign3A_8 : vector<16xi1> to vector<16xi32>
    %sign3A_10 = arith.constant 0 : i32
    %sign3A_11 = vector.broadcast %sign3A_10 : i32 to vector<16xi32>
    %sign3A_12 = arith.cmpi slt, %add3A_5, %sign3A_11 : vector<16xi32>
    %sign3A_13 = arith.extui %sign3A_12 : vector<16xi1> to vector<16xi32>
    %sign3A_14 = arith.subi %sign3A_9, %sign3A_13 : vector<16xi32>
    %sign3A_15 = arith.constant 0 : i32
    %sign3A_16 = arith.cmpi sgt, %jit3A, %sign3A_15 : i32
    %sign3A_17 = arith.extui %sign3A_16 : i1 to i32
    %sign3A_18 = arith.constant 0 : i32
    %sign3A_19 = arith.cmpi slt, %jit3A, %sign3A_18 : i32
    %sign3A_20 = arith.extui %sign3A_19 : i1 to i32
    %sign3A_21 = arith.subi %sign3A_17, %sign3A_20 : i32
    %ne3A = vector.broadcast %sign3A_21 : i32 to vector<16xi32>
    %ne3A_22 = arith.cmpi ne, %sign3A_14, %ne3A : vector<16xi32>
    %rem3A = vector.broadcast %jit3A : i32 to vector<16xi32>
    %rem3A_23 = arith.remsi %add3A_5, %rem3A : vector<16xi32>
    %ne3A_24 = arith.constant 0 : i32
    %ne3A_25 = vector.broadcast %ne3A_24 : i32 to vector<16xi32>
    %ne3A_26 = arith.cmpi ne, %rem3A_23, %ne3A_25 : vector<16xi32>
    %and3A = arith.andi %ne3A_22, %ne3A_26 : vector<16xi1>
    %sub3A = arith.constant 1 : i32
    %sub3A_27 = vector.broadcast %sub3A : i32 to vector<16xi32>
    %sub3A_28 = arith.subi %div3A_6, %sub3A_27 : vector<16xi32>
    %select_n3A = arith.select %and3A, %sub3A_28, %div3A_6 : vector<16xi1>, vector<16xi32>
    %add3A_29 = arith.constant 16 : i32
    %add3A_30 = vector.broadcast %add3A_29 : i32 to vector<16xi32>
    %add3A_31 = arith.addi %add3A_30, %iota3A : vector<16xi32>
    %jit3A_32 = arith.constant 8 : i32
    %div3A_33 = vector.broadcast %jit3A_32 : i32 to vector<16xi32>
    %div3A_34 = arith.divsi %add3A_31, %div3A_33 : vector<16xi32>
    %sign3A_35 = arith.constant 0 : i32
    %sign3A_36 = vector.broadcast %sign3A_35 : i32 to vector<16xi32>
    %sign3A_37 = arith.cmpi sgt, %add3A_31, %sign3A_36 : vector<16xi32>
    %sign3A_38 = arith.extui %sign3A_37 : vector<16xi1> to vector<16xi32>
    %sign3A_39 = arith.constant 0 : i32
    %sign3A_40 = vector.broadcast %sign3A_39 : i32 to vector<16xi32>
    %sign3A_41 = arith.cmpi slt, %add3A_31, %sign3A_40 : vector<16xi32>
    %sign3A_42 = arith.extui %sign3A_41 : vector<16xi1> to vector<16xi32>
    %sign3A_43 = arith.subi %sign3A_38, %sign3A_42 : vector<16xi32>
    %sign3A_44 = arith.constant 0 : i32
    %sign3A_45 = arith.cmpi sgt, %jit3A_32, %sign3A_44 : i32
    %sign3A_46 = arith.extui %sign3A_45 : i1 to i32
    %sign3A_47 = arith.constant 0 : i32
    %sign3A_48 = arith.cmpi slt, %jit3A_32, %sign3A_47 : i32
    %sign3A_49 = arith.extui %sign3A_48 : i1 to i32
    %sign3A_50 = arith.subi %sign3A_46, %sign3A_49 : i32
    %ne3A_51 = vector.broadcast %sign3A_50 : i32 to vector<16xi32>
    %ne3A_52 = arith.cmpi ne, %sign3A_43, %ne3A_51 : vector<16xi32>
    %rem3A_53 = vector.broadcast %jit3A_32 : i32 to vector<16xi32>
    %rem3A_54 = arith.remsi %add3A_31, %rem3A_53 : vector<16xi32>
    %ne3A_55 = arith.constant 0 : i32
    %ne3A_56 = vector.broadcast %ne3A_55 : i32 to vector<16xi32>
    %ne3A_57 = arith.cmpi ne, %rem3A_54, %ne3A_56 : vector<16xi32>
    %and3A_58 = arith.andi %ne3A_52, %ne3A_57 : vector<16xi1>
    %sub3A_59 = arith.constant 1 : i32
    %sub3A_60 = vector.broadcast %sub3A_59 : i32 to vector<16xi32>
    %sub3A_61 = arith.subi %div3A_34, %sub3A_60 : vector<16xi32>
    %select_n3A_62 = arith.select %and3A_58, %sub3A_61, %div3A_34 : vector<16xi1>, vector<16xi32>
    %add3A_63 = arith.constant 32 : i32
    %add3A_64 = vector.broadcast %add3A_63 : i32 to vector<16xi32>
    %add3A_65 = arith.addi %add3A_64, %iota3A : vector<16xi32>
    %jit3A_66 = arith.constant 8 : i32
    %div3A_67 = vector.broadcast %jit3A_66 : i32 to vector<16xi32>
    %div3A_68 = arith.divsi %add3A_65, %div3A_67 : vector<16xi32>
    %sign3A_69 = arith.constant 0 : i32
    %sign3A_70 = vector.broadcast %sign3A_69 : i32 to vector<16xi32>
    %sign3A_71 = arith.cmpi sgt, %add3A_65, %sign3A_70 : vector<16xi32>
    %sign3A_72 = arith.extui %sign3A_71 : vector<16xi1> to vector<16xi32>
    %sign3A_73 = arith.constant 0 : i32
    %sign3A_74 = vector.broadcast %sign3A_73 : i32 to vector<16xi32>
    %sign3A_75 = arith.cmpi slt, %add3A_65, %sign3A_74 : vector<16xi32>
    %sign3A_76 = arith.extui %sign3A_75 : vector<16xi1> to vector<16xi32>
    %sign3A_77 = arith.subi %sign3A_72, %sign3A_76 : vector<16xi32>
    %sign3A_78 = arith.constant 0 : i32
    %sign3A_79 = arith.cmpi sgt, %jit3A_66, %sign3A_78 : i32
    %sign3A_80 = arith.extui %sign3A_79 : i1 to i32
    %sign3A_81 = arith.constant 0 : i32
    %sign3A_82 = arith.cmpi slt, %jit3A_66, %sign3A_81 : i32
    %sign3A_83 = arith.extui %sign3A_82 : i1 to i32
    %sign3A_84 = arith.subi %sign3A_80, %sign3A_83 : i32
    %ne3A_85 = vector.broadcast %sign3A_84 : i32 to vector<16xi32>
    %ne3A_86 = arith.cmpi ne, %sign3A_77, %ne3A_85 : vector<16xi32>
    %rem3A_87 = vector.broadcast %jit3A_66 : i32 to vector<16xi32>
    %rem3A_88 = arith.remsi %add3A_65, %rem3A_87 : vector<16xi32>
    %ne3A_89 = arith.constant 0 : i32
    %ne3A_90 = vector.broadcast %ne3A_89 : i32 to vector<16xi32>
    %ne3A_91 = arith.cmpi ne, %rem3A_88, %ne3A_90 : vector<16xi32>
    %and3A_92 = arith.andi %ne3A_86, %ne3A_91 : vector<16xi1>
    %sub3A_93 = arith.constant 1 : i32
    %sub3A_94 = vector.broadcast %sub3A_93 : i32 to vector<16xi32>
    %sub3A_95 = arith.subi %div3A_68, %sub3A_94 : vector<16xi32>
    %select_n3A_96 = arith.select %and3A_92, %sub3A_95, %div3A_68 : vector<16xi1>, vector<16xi32>
    %add3A_97 = arith.constant 48 : i32
    %add3A_98 = vector.broadcast %add3A_97 : i32 to vector<16xi32>
    %add3A_99 = arith.addi %add3A_98, %iota3A : vector<16xi32>
    %jit3A_100 = arith.constant 8 : i32
    %div3A_101 = vector.broadcast %jit3A_100 : i32 to vector<16xi32>
    %div3A_102 = arith.divsi %add3A_99, %div3A_101 : vector<16xi32>
    %sign3A_103 = arith.constant 0 : i32
    %sign3A_104 = vector.broadcast %sign3A_103 : i32 to vector<16xi32>
    %sign3A_105 = arith.cmpi sgt, %add3A_99, %sign3A_104 : vector<16xi32>
    %sign3A_106 = arith.extui %sign3A_105 : vector<16xi1> to vector<16xi32>
    %sign3A_107 = arith.constant 0 : i32
    %sign3A_108 = vector.broadcast %sign3A_107 : i32 to vector<16xi32>
    %sign3A_109 = arith.cmpi slt, %add3A_99, %sign3A_108 : vector<16xi32>
    %sign3A_110 = arith.extui %sign3A_109 : vector<16xi1> to vector<16xi32>
    %sign3A_111 = arith.subi %sign3A_106, %sign3A_110 : vector<16xi32>
    %sign3A_112 = arith.constant 0 : i32
    %sign3A_113 = arith.cmpi sgt, %jit3A_100, %sign3A_112 : i32
    %sign3A_114 = arith.extui %sign3A_113 : i1 to i32
    %sign3A_115 = arith.constant 0 : i32
    %sign3A_116 = arith.cmpi slt, %jit3A_100, %sign3A_115 : i32
    %sign3A_117 = arith.extui %sign3A_116 : i1 to i32
    %sign3A_118 = arith.subi %sign3A_114, %sign3A_117 : i32
    %ne3A_119 = vector.broadcast %sign3A_118 : i32 to vector<16xi32>
    %ne3A_120 = arith.cmpi ne, %sign3A_111, %ne3A_119 : vector<16xi32>
    %rem3A_121 = vector.broadcast %jit3A_100 : i32 to vector<16xi32>
    %rem3A_122 = arith.remsi %add3A_99, %rem3A_121 : vector<16xi32>
    %ne3A_123 = arith.constant 0 : i32
    %ne3A_124 = vector.broadcast %ne3A_123 : i32 to vector<16xi32>
    %ne3A_125 = arith.cmpi ne, %rem3A_122, %ne3A_124 : vector<16xi32>
    %and3A_126 = arith.andi %ne3A_120, %ne3A_125 : vector<16xi1>
    %sub3A_127 = arith.constant 1 : i32
    %sub3A_128 = vector.broadcast %sub3A_127 : i32 to vector<16xi32>
    %sub3A_129 = arith.subi %div3A_102, %sub3A_128 : vector<16xi32>
    %select_n3A_130 = arith.select %and3A_126, %sub3A_129, %div3A_102 : vector<16xi1>, vector<16xi32>
    %add3A_131 = arith.constant 0 : i32
    %add3A_132 = vector.broadcast %add3A_131 : i32 to vector<16xi32>
    %add3A_133 = arith.addi %add3A_132, %iota3A : vector<16xi32>
    %jit3A_134 = arith.constant 8 : i32
    %eq3A = arith.constant 0 : i32
    %eq3A_135 = arith.cmpi eq, %jit3A_134, %eq3A : i32
    %jit3A_136 = arith.constant 1 : i32
    %select_n3A_137 = arith.select %eq3A_135, %jit3A_136, %jit3A_134 : i32
    %rem3A_138 = vector.broadcast %select_n3A_137 : i32 to vector<16xi32>
    %rem3A_139 = arith.remsi %add3A_133, %rem3A_138 : vector<16xi32>
    %ne3A_140 = arith.constant 0 : i32
    %ne3A_141 = vector.broadcast %ne3A_140 : i32 to vector<16xi32>
    %ne3A_142 = arith.cmpi ne, %rem3A_139, %ne3A_141 : vector<16xi32>
    %lt3A = arith.constant 0 : i32
    %lt3A_143 = vector.broadcast %lt3A : i32 to vector<16xi32>
    %lt3A_144 = arith.cmpi slt, %rem3A_139, %lt3A_143 : vector<16xi32>
    %lt3A_145 = arith.constant 0 : i32
    %lt3A_146 = arith.cmpi slt, %select_n3A_137, %lt3A_145 : i32
    %ne3A_147 = vector.broadcast %lt3A_146 : i1 to vector<16xi1>
    %ne3A_148 = vector.broadcast %ne3A_147 : vector<16xi1> to vector<16xi1>
    %ne3A_149 = arith.xori %lt3A_144, %ne3A_148 : vector<16xi1>
    %and3A_150 = arith.andi %ne3A_149, %ne3A_142 : vector<16xi1>
    %add3A_151 = vector.broadcast %select_n3A_137 : i32 to vector<16xi32>
    %add3A_152 = arith.addi %rem3A_139, %add3A_151 : vector<16xi32>
    %select_n3A_153 = arith.select %and3A_150, %add3A_152, %rem3A_139 : vector<16xi1>, vector<16xi32>
    %add3A_154 = arith.constant 16 : i32
    %add3A_155 = vector.broadcast %add3A_154 : i32 to vector<16xi32>
    %add3A_156 = arith.addi %add3A_155, %iota3A : vector<16xi32>
    %jit3A_157 = arith.constant 8 : i32
    %eq3A_158 = arith.constant 0 : i32
    %eq3A_159 = arith.cmpi eq, %jit3A_157, %eq3A_158 : i32
    %jit3A_160 = arith.constant 1 : i32
    %select_n3A_161 = arith.select %eq3A_159, %jit3A_160, %jit3A_157 : i32
    %rem3A_162 = vector.broadcast %select_n3A_161 : i32 to vector<16xi32>
    %rem3A_163 = arith.remsi %add3A_156, %rem3A_162 : vector<16xi32>
    %ne3A_164 = arith.constant 0 : i32
    %ne3A_165 = vector.broadcast %ne3A_164 : i32 to vector<16xi32>
    %ne3A_166 = arith.cmpi ne, %rem3A_163, %ne3A_165 : vector<16xi32>
    %lt3A_167 = arith.constant 0 : i32
    %lt3A_168 = vector.broadcast %lt3A_167 : i32 to vector<16xi32>
    %lt3A_169 = arith.cmpi slt, %rem3A_163, %lt3A_168 : vector<16xi32>
    %lt3A_170 = arith.constant 0 : i32
    %lt3A_171 = arith.cmpi slt, %select_n3A_161, %lt3A_170 : i32
    %ne3A_172 = vector.broadcast %lt3A_171 : i1 to vector<16xi1>
    %ne3A_173 = vector.broadcast %ne3A_172 : vector<16xi1> to vector<16xi1>
    %ne3A_174 = arith.xori %lt3A_169, %ne3A_173 : vector<16xi1>
    %and3A_175 = arith.andi %ne3A_174, %ne3A_166 : vector<16xi1>
    %add3A_176 = vector.broadcast %select_n3A_161 : i32 to vector<16xi32>
    %add3A_177 = arith.addi %rem3A_163, %add3A_176 : vector<16xi32>
    %select_n3A_178 = arith.select %and3A_175, %add3A_177, %rem3A_163 : vector<16xi1>, vector<16xi32>
    %add3A_179 = arith.constant 32 : i32
    %add3A_180 = vector.broadcast %add3A_179 : i32 to vector<16xi32>
    %add3A_181 = arith.addi %add3A_180, %iota3A : vector<16xi32>
    %jit3A_182 = arith.constant 8 : i32
    %eq3A_183 = arith.constant 0 : i32
    %eq3A_184 = arith.cmpi eq, %jit3A_182, %eq3A_183 : i32
    %jit3A_185 = arith.constant 1 : i32
    %select_n3A_186 = arith.select %eq3A_184, %jit3A_185, %jit3A_182 : i32
    %rem3A_187 = vector.broadcast %select_n3A_186 : i32 to vector<16xi32>
    %rem3A_188 = arith.remsi %add3A_181, %rem3A_187 : vector<16xi32>
    %ne3A_189 = arith.constant 0 : i32
    %ne3A_190 = vector.broadcast %ne3A_189 : i32 to vector<16xi32>
    %ne3A_191 = arith.cmpi ne, %rem3A_188, %ne3A_190 : vector<16xi32>
    %lt3A_192 = arith.constant 0 : i32
    %lt3A_193 = vector.broadcast %lt3A_192 : i32 to vector<16xi32>
    %lt3A_194 = arith.cmpi slt, %rem3A_188, %lt3A_193 : vector<16xi32>
    %lt3A_195 = arith.constant 0 : i32
    %lt3A_196 = arith.cmpi slt, %select_n3A_186, %lt3A_195 : i32
    %ne3A_197 = vector.broadcast %lt3A_196 : i1 to vector<16xi1>
    %ne3A_198 = vector.broadcast %ne3A_197 : vector<16xi1> to vector<16xi1>
    %ne3A_199 = arith.xori %lt3A_194, %ne3A_198 : vector<16xi1>
    %and3A_200 = arith.andi %ne3A_199, %ne3A_191 : vector<16xi1>
    %add3A_201 = vector.broadcast %select_n3A_186 : i32 to vector<16xi32>
    %add3A_202 = arith.addi %rem3A_188, %add3A_201 : vector<16xi32>
    %select_n3A_203 = arith.select %and3A_200, %add3A_202, %rem3A_188 : vector<16xi1>, vector<16xi32>
    %add3A_204 = arith.constant 48 : i32
    %add3A_205 = vector.broadcast %add3A_204 : i32 to vector<16xi32>
    %add3A_206 = arith.addi %add3A_205, %iota3A : vector<16xi32>
    %jit3A_207 = arith.constant 8 : i32
    %eq3A_208 = arith.constant 0 : i32
    %eq3A_209 = arith.cmpi eq, %jit3A_207, %eq3A_208 : i32
    %jit3A_210 = arith.constant 1 : i32
    %select_n3A_211 = arith.select %eq3A_209, %jit3A_210, %jit3A_207 : i32
    %rem3A_212 = vector.broadcast %select_n3A_211 : i32 to vector<16xi32>
    %rem3A_213 = arith.remsi %add3A_206, %rem3A_212 : vector<16xi32>
    %ne3A_214 = arith.constant 0 : i32
    %ne3A_215 = vector.broadcast %ne3A_214 : i32 to vector<16xi32>
    %ne3A_216 = arith.cmpi ne, %rem3A_213, %ne3A_215 : vector<16xi32>
    %lt3A_217 = arith.constant 0 : i32
    %lt3A_218 = vector.broadcast %lt3A_217 : i32 to vector<16xi32>
    %lt3A_219 = arith.cmpi slt, %rem3A_213, %lt3A_218 : vector<16xi32>
    %lt3A_220 = arith.constant 0 : i32
    %lt3A_221 = arith.cmpi slt, %select_n3A_211, %lt3A_220 : i32
    %ne3A_222 = vector.broadcast %lt3A_221 : i1 to vector<16xi1>
    %ne3A_223 = vector.broadcast %ne3A_222 : vector<16xi1> to vector<16xi1>
    %ne3A_224 = arith.xori %lt3A_219, %ne3A_223 : vector<16xi1>
    %and3A_225 = arith.andi %ne3A_224, %ne3A_216 : vector<16xi1>
    %add3A_226 = vector.broadcast %select_n3A_211 : i32 to vector<16xi32>
    %add3A_227 = arith.addi %rem3A_213, %add3A_226 : vector<16xi32>
    %select_n3A_228 = arith.select %and3A_225, %add3A_227, %rem3A_213 : vector<16xi1>, vector<16xi32>
    %dma_start3A = arith.constant 0 : i32
    %dma_start3A_229 = arith.constant 0 : i32
    %dma_start3A_230 = tpu.memref_slice %arg6[%dma_start3A, %dma_start3A_229] : memref<200x128xi32, #tpu.memory_space<vmem>> -> memref<1x128xi32, #tpu.memory_space<vmem>>
    %dma_start3A_231 = tpu.memref_squeeze %dma_start3A_230 : memref<1x128xi32, #tpu.memory_space<vmem>> -> memref<128xi32, #tpu.memory_space<vmem>>
    %dma_start3A_232 = arith.constant 0 : i32
    %dma_start3A_233 = arith.constant 0 : i32
    %dma_start3A_234 = tpu.memref_slice %arg3[%dma_start3A_232, %dma_start3A_233] : memref<100000x64xf32, #tpu.memory_space<hbm>> -> memref<100000x64xf32, #tpu.memory_space<hbm>>
    tpu.enqueue_indirect_dma source(%dma_start3A_234 : memref<100000x64xf32, #tpu.memory_space<hbm>>) target(%arg8 : memref<128x64xf32, #tpu.memory_space<vmem>>) offsets(%dma_start3A_231 : memref<128xi32, #tpu.memory_space<vmem>>) semaphore(%arg12 : memref<!tpu.dma_semaphore, #tpu.memory_space<semaphore_mem>>)
    %dma_start3A_235 = arith.constant 1 : i32
    %dma_start3A_236 = arith.constant 0 : i32
    %dma_start3A_237 = tpu.memref_slice %arg6[%dma_start3A_235, %dma_start3A_236] : memref<200x128xi32, #tpu.memory_space<vmem>> -> memref<1x128xi32, #tpu.memory_space<vmem>>
    %dma_start3A_238 = tpu.memref_squeeze %dma_start3A_237 : memref<1x128xi32, #tpu.memory_space<vmem>> -> memref<128xi32, #tpu.memory_space<vmem>>
    %dma_start3A_239 = arith.constant 0 : i32
    %dma_start3A_240 = arith.constant 0 : i32
    %dma_start3A_241 = tpu.memref_slice %arg3[%dma_start3A_239, %dma_start3A_240] : memref<100000x64xf32, #tpu.memory_space<hbm>> -> memref<100000x64xf32, #tpu.memory_space<hbm>>
    tpu.enqueue_indirect_dma source(%dma_start3A_241 : memref<100000x64xf32, #tpu.memory_space<hbm>>) target(%arg9 : memref<128x64xf32, #tpu.memory_space<vmem>>) offsets(%dma_start3A_238 : memref<128xi32, #tpu.memory_space<vmem>>) semaphore(%arg13 : memref<!tpu.dma_semaphore, #tpu.memory_space<semaphore_mem>>)
    %scan3A = arith.constant 0 : i32
    %scan3A_242 = arith.constant 0 : i32
    %scan3A_243 = arith.constant 100 : i32
    %scan3A_244 = arith.addi %scan3A_242, %scan3A_243 : i32
    %scan3A_245 = arith.constant 1 : i32
    scf.for %scan3A_284 = %scan3A_242 to %scan3A_244 step %scan3A_245  : i32 {
      %mul3A_285 = arith.constant 2 : i32
      %mul3A_286 = arith.muli %scan3A_284, %mul3A_285 : i32
      %add3A_287 = arith.constant 0 : i32
      %add3A_288 = arith.addi %mul3A_286, %add3A_287 : i32
      %dma_wait3A_289 = arith.constant 0 : i32
      %dma_wait3A_290 = tpu.memref_slice %arg6[%add3A_288, %dma_wait3A_289] : memref<200x128xi32, #tpu.memory_space<vmem>> -> memref<1x128xi32, #tpu.memory_space<vmem>>
      %dma_wait3A_291 = tpu.memref_squeeze %dma_wait3A_290 : memref<1x128xi32, #tpu.memory_space<vmem>> -> memref<128xi32, #tpu.memory_space<vmem>>
      %dma_wait3A_292 = arith.constant 0 : i32
      %dma_wait3A_293 = arith.constant 0 : i32
      %dma_wait3A_294 = tpu.memref_slice %arg3[%dma_wait3A_292, %dma_wait3A_293] : memref<100000x64xf32, #tpu.memory_space<hbm>> -> memref<100000x64xf32, #tpu.memory_space<hbm>>
      tpu.wait_indirect_dma semaphore(%arg12 : memref<!tpu.dma_semaphore, #tpu.memory_space<semaphore_mem>>) src(%dma_wait3A_294 : memref<100000x64xf32, #tpu.memory_space<hbm>>) dst(%arg8 : memref<128x64xf32, #tpu.memory_space<vmem>>)
      %ge3A = arith.constant 2 : i32
      %ge3A_295 = arith.cmpi sge, %add3A_288, %ge3A : i32
      %convert_element_type3A = arith.extui %ge3A_295 : i1 to i32
      %cond3A = arith.constant 0 : i32
      %cond3A_296 = arith.cmpi ne, %convert_element_type3A, %cond3A : i32
      scf.if %cond3A_296 {
        %dma_wait3A_395 = arith.constant 0 : i32
        %dma_wait3A_396 = arith.constant 0 : i32
        %dma_wait3A_397 = arith.constant 0 : i32
        %dma_wait3A_398 = arith.constant 0 : i32
        %dma_wait3A_399 = tpu.memref_slice %arg10[%dma_wait3A_396, %dma_wait3A_397, %dma_wait3A_398] : memref<8x8x133xf32, #tpu.memory_space<vmem>> -> memref<8x8x128xf32, #tpu.memory_space<vmem>>
        %dma_wait3A_400 = arith.constant 0 : i32
        %dma_wait3A_401 = arith.constant 0 : i32
        %dma_wait3A_402 = arith.constant 0 : i32
        %dma_wait3A_403 = tpu.memref_slice %arg5[%dma_wait3A_395, %dma_wait3A_400, %add3A, %dma_wait3A_401, %dma_wait3A_402] : memref<200x8x32x8x128xf32, #tpu.memory_space<hbm>> -> memref<1x8x1x8x128xf32, #tpu.memory_space<hbm>>
        %dma_wait3A_404 = tpu.memref_squeeze %dma_wait3A_403 : memref<1x8x1x8x128xf32, #tpu.memory_space<hbm>> -> memref<8x8x128xf32, #tpu.memory_space<hbm>>
        %dma_wait3A_405 = arith.constant 0 : i32
        %dma_wait3A_406 = arith.constant 0 : i32
        %dma_wait3A_407 = arith.constant 0 : i32
        %dma_wait3A_408 = tpu.memref_slice %arg5[%dma_wait3A_395, %dma_wait3A_405, %add3A, %dma_wait3A_406, %dma_wait3A_407] : memref<200x8x32x8x128xf32, #tpu.memory_space<hbm>> -> memref<1x8x1x8x128xf32, #tpu.memory_space<hbm>>
        %dma_wait3A_409 = tpu.memref_squeeze %dma_wait3A_408 : memref<1x8x1x8x128xf32, #tpu.memory_space<hbm>> -> memref<8x8x128xf32, #tpu.memory_space<hbm>>
        %dma_wait3A_410 = arith.constant 0 : i32
        %dma_wait3A_411 = arith.constant 0 : i32
        %dma_wait3A_412 = arith.constant 0 : i32
        %dma_wait3A_413 = tpu.memref_slice %arg10[%dma_wait3A_410, %dma_wait3A_411, %dma_wait3A_412] : memref<8x8x133xf32, #tpu.memory_space<vmem>> -> memref<8x8x128xf32, #tpu.memory_space<vmem>>
        tpu.wait_dma2 semaphore(%arg14 : memref<!tpu.dma_semaphore, #tpu.memory_space<semaphore_mem>>) src(%dma_wait3A_413 : memref<8x8x128xf32, #tpu.memory_space<vmem>>) dst(%dma_wait3A_409 : memref<8x8x128xf32, #tpu.memory_space<hbm>>)
      } else {
      }
      %get3A = arith.index_cast %add3A_288 : i32 to index
      %get3A_297 = arith.constant 0 : index
      %get3A_298 = tpu.vector_load %arg7[%get3A, %get3A_297] {strides = array<i32>} : memref<200x64xf32, #tpu.memory_space<vmem>>, vector<16xf32>,
      %get3A_299 = arith.index_cast %add3A_288 : i32 to index
      %get3A_300 = arith.constant 16 : index
      %get3A_301 = tpu.vector_load %arg7[%get3A_299, %get3A_300] {strides = array<i32>} : memref<200x64xf32, #tpu.memory_space<vmem>>, vector<16xf32>,
      %get3A_302 = arith.index_cast %add3A_288 : i32 to index
      %get3A_303 = arith.constant 32 : index
      %get3A_304 = tpu.vector_load %arg7[%get3A_302, %get3A_303] {strides = array<i32>} : memref<200x64xf32, #tpu.memory_space<vmem>>, vector<16xf32>,
      %get3A_305 = arith.index_cast %add3A_288 : i32 to index
      %get3A_306 = arith.constant 48 : index
      %get3A_307 = tpu.vector_load %arg7[%get3A_305, %get3A_306] {strides = array<i32>} : memref<200x64xf32, #tpu.memory_space<vmem>>, vector<16xf32>,
      %scan3A_308 = arith.constant 0 : i32
      %scan3A_309 = arith.constant 0 : i32
      %scan3A_310 = arith.constant 128 : i32
      %scan3A_311 = arith.addi %scan3A_309, %scan3A_310 : i32
      %scan3A_312 = arith.constant 4 : i32
      scf.for %scan3A_395 = %scan3A_309 to %scan3A_311 step %scan3A_312  : i32 {
        %broadcast_in_dim3A = vector.broadcast %scan3A_395 : i32 to vector<16xi32>
        %get3A_396 = arith.index_cast %scan3A_395 : i32 to index
        %get3A_397 = arith.constant 0 : index
        %get3A_398 = tpu.vector_load %arg8[%get3A_396, %get3A_397] {strides = array<i32>} : memref<128x64xf32, #tpu.memory_space<vmem>>, vector<16xf32>,
        %add3A_399 = arith.addf %get3A_398, %get3A_298 : vector<16xf32>
        tpu.vector_store_idx %arg10[%select_n3A, %select_n3A_153, %broadcast_in_dim3A], %add3A_399 : memref<8x8x133xf32, #tpu.memory_space<vmem>>[vector<16xi32>, vector<16xi32>, vector<16xi32>], vector<16xf32>,
        %get3A_400 = arith.index_cast %scan3A_395 : i32 to index
        %get3A_401 = arith.constant 16 : index
        %get3A_402 = tpu.vector_load %arg8[%get3A_400, %get3A_401] {strides = array<i32>} : memref<128x64xf32, #tpu.memory_space<vmem>>, vector<16xf32>,
        %add3A_403 = arith.addf %get3A_402, %get3A_301 : vector<16xf32>
        tpu.vector_store_idx %arg10[%select_n3A_62, %select_n3A_178, %broadcast_in_dim3A], %add3A_403 : memref<8x8x133xf32, #tpu.memory_space<vmem>>[vector<16xi32>, vector<16xi32>, vector<16xi32>], vector<16xf32>,
        %get3A_404 = arith.index_cast %scan3A_395 : i32 to index
        %get3A_405 = arith.constant 32 : index
        %get3A_406 = tpu.vector_load %arg8[%get3A_404, %get3A_405] {strides = array<i32>} : memref<128x64xf32, #tpu.memory_space<vmem>>, vector<16xf32>,
        %add3A_407 = arith.addf %get3A_406, %get3A_304 : vector<16xf32>
        tpu.vector_store_idx %arg10[%select_n3A_96, %select_n3A_203, %broadcast_in_dim3A], %add3A_407 : memref<8x8x133xf32, #tpu.memory_space<vmem>>[vector<16xi32>, vector<16xi32>, vector<16xi32>], vector<16xf32>,
        %get3A_408 = arith.index_cast %scan3A_395 : i32 to index
        %get3A_409 = arith.constant 48 : index
        %get3A_410 = tpu.vector_load %arg8[%get3A_408, %get3A_409] {strides = array<i32>} : memref<128x64xf32, #tpu.memory_space<vmem>>, vector<16xf32>,
        %add3A_411 = arith.addf %get3A_410, %get3A_307 : vector<16xf32>
        tpu.vector_store_idx %arg10[%select_n3A_130, %select_n3A_228, %broadcast_in_dim3A], %add3A_411 : memref<8x8x133xf32, #tpu.memory_space<vmem>>[vector<16xi32>, vector<16xi32>, vector<16xi32>], vector<16xf32>,
        %scan3A_412 = arith.constant 1 : i32
        %scan3A_413 = arith.addi %scan3A_395, %scan3A_412 : i32
        %broadcast_in_dim3A_414 = vector.broadcast %scan3A_413 : i32 to vector<16xi32>
        %get3A_415 = arith.index_cast %scan3A_413 : i32 to index
        %get3A_416 = arith.constant 0 : index
        %get3A_417 = tpu.vector_load %arg8[%get3A_415, %get3A_416] {strides = array<i32>} : memref<128x64xf32, #tpu.memory_space<vmem>>, vector<16xf32>,
        %add3A_418 = arith.addf %get3A_417, %get3A_298 : vector<16xf32>
        tpu.vector_store_idx %arg10[%select_n3A, %select_n3A_153, %broadcast_in_dim3A_414], %add3A_418 : memref<8x8x133xf32, #tpu.memory_space<vmem>>[vector<16xi32>, vector<16xi32>, vector<16xi32>], vector<16xf32>,
        %get3A_419 = arith.index_cast %scan3A_413 : i32 to index
        %get3A_420 = arith.constant 16 : index
        %get3A_421 = tpu.vector_load %arg8[%get3A_419, %get3A_420] {strides = array<i32>} : memref<128x64xf32, #tpu.memory_space<vmem>>, vector<16xf32>,
        %add3A_422 = arith.addf %get3A_421, %get3A_301 : vector<16xf32>
        tpu.vector_store_idx %arg10[%select_n3A_62, %select_n3A_178, %broadcast_in_dim3A_414], %add3A_422 : memref<8x8x133xf32, #tpu.memory_space<vmem>>[vector<16xi32>, vector<16xi32>, vector<16xi32>], vector<16xf32>,
        %get3A_423 = arith.index_cast %scan3A_413 : i32 to index
        %get3A_424 = arith.constant 32 : index
        %get3A_425 = tpu.vector_load %arg8[%get3A_423, %get3A_424] {strides = array<i32>} : memref<128x64xf32, #tpu.memory_space<vmem>>, vector<16xf32>,
        %add3A_426 = arith.addf %get3A_425, %get3A_304 : vector<16xf32>
        tpu.vector_store_idx %arg10[%select_n3A_96, %select_n3A_203, %broadcast_in_dim3A_414], %add3A_426 : memref<8x8x133xf32, #tpu.memory_space<vmem>>[vector<16xi32>, vector<16xi32>, vector<16xi32>], vector<16xf32>,
        %get3A_427 = arith.index_cast %scan3A_413 : i32 to index
        %get3A_428 = arith.constant 48 : index
        %get3A_429 = tpu.vector_load %arg8[%get3A_427, %get3A_428] {strides = array<i32>} : memref<128x64xf32, #tpu.memory_space<vmem>>, vector<16xf32>,
        %add3A_430 = arith.addf %get3A_429, %get3A_307 : vector<16xf32>
        tpu.vector_store_idx %arg10[%select_n3A_130, %select_n3A_228, %broadcast_in_dim3A_414], %add3A_430 : memref<8x8x133xf32, #tpu.memory_space<vmem>>[vector<16xi32>, vector<16xi32>, vector<16xi32>], vector<16xf32>,
        %scan3A_431 = arith.constant 2 : i32
        %scan3A_432 = arith.addi %scan3A_395, %scan3A_431 : i32
        %broadcast_in_dim3A_433 = vector.broadcast %scan3A_432 : i32 to vector<16xi32>
        %get3A_434 = arith.index_cast %scan3A_432 : i32 to index
        %get3A_435 = arith.constant 0 : index
        %get3A_436 = tpu.vector_load %arg8[%get3A_434, %get3A_435] {strides = array<i32>} : memref<128x64xf32, #tpu.memory_space<vmem>>, vector<16xf32>,
        %add3A_437 = arith.addf %get3A_436, %get3A_298 : vector<16xf32>
        tpu.vector_store_idx %arg10[%select_n3A, %select_n3A_153, %broadcast_in_dim3A_433], %add3A_437 : memref<8x8x133xf32, #tpu.memory_space<vmem>>[vector<16xi32>, vector<16xi32>, vector<16xi32>], vector<16xf32>,
        %get3A_438 = arith.index_cast %scan3A_432 : i32 to index
        %get3A_439 = arith.constant 16 : index
        %get3A_440 = tpu.vector_load %arg8[%get3A_438, %get3A_439] {strides = array<i32>} : memref<128x64xf32, #tpu.memory_space<vmem>>, vector<16xf32>,
        %add3A_441 = arith.addf %get3A_440, %get3A_301 : vector<16xf32>
        tpu.vector_store_idx %arg10[%select_n3A_62, %select_n3A_178, %broadcast_in_dim3A_433], %add3A_441 : memref<8x8x133xf32, #tpu.memory_space<vmem>>[vector<16xi32>, vector<16xi32>, vector<16xi32>], vector<16xf32>,
        %get3A_442 = arith.index_cast %scan3A_432 : i32 to index
        %get3A_443 = arith.constant 32 : index
        %get3A_444 = tpu.vector_load %arg8[%get3A_442, %get3A_443] {strides = array<i32>} : memref<128x64xf32, #tpu.memory_space<vmem>>, vector<16xf32>,
        %add3A_445 = arith.addf %get3A_444, %get3A_304 : vector<16xf32>
        tpu.vector_store_idx %arg10[%select_n3A_96, %select_n3A_203, %broadcast_in_dim3A_433], %add3A_445 : memref<8x8x133xf32, #tpu.memory_space<vmem>>[vector<16xi32>, vector<16xi32>, vector<16xi32>], vector<16xf32>,
        %get3A_446 = arith.index_cast %scan3A_432 : i32 to index
        %get3A_447 = arith.constant 48 : index
        %get3A_448 = tpu.vector_load %arg8[%get3A_446, %get3A_447] {strides = array<i32>} : memref<128x64xf32, #tpu.memory_space<vmem>>, vector<16xf32>,
        %add3A_449 = arith.addf %get3A_448, %get3A_307 : vector<16xf32>
        tpu.vector_store_idx %arg10[%select_n3A_130, %select_n3A_228, %broadcast_in_dim3A_433], %add3A_449 : memref<8x8x133xf32, #tpu.memory_space<vmem>>[vector<16xi32>, vector<16xi32>, vector<16xi32>], vector<16xf32>,
        %scan3A_450 = arith.constant 3 : i32
        %scan3A_451 = arith.addi %scan3A_395, %scan3A_450 : i32
        %broadcast_in_dim3A_452 = vector.broadcast %scan3A_451 : i32 to vector<16xi32>
        %get3A_453 = arith.index_cast %scan3A_451 : i32 to index
        %get3A_454 = arith.constant 0 : index
        %get3A_455 = tpu.vector_load %arg8[%get3A_453, %get3A_454] {strides = array<i32>} : memref<128x64xf32, #tpu.memory_space<vmem>>, vector<16xf32>,
        %add3A_456 = arith.addf %get3A_455, %get3A_298 : vector<16xf32>
        tpu.vector_store_idx %arg10[%select_n3A, %select_n3A_153, %broadcast_in_dim3A_452], %add3A_456 : memref<8x8x133xf32, #tpu.memory_space<vmem>>[vector<16xi32>, vector<16xi32>, vector<16xi32>], vector<16xf32>,
        %get3A_457 = arith.index_cast %scan3A_451 : i32 to index
        %get3A_458 = arith.constant 16 : index
        %get3A_459 = tpu.vector_load %arg8[%get3A_457, %get3A_458] {strides = array<i32>} : memref<128x64xf32, #tpu.memory_space<vmem>>, vector<16xf32>,
        %add3A_460 = arith.addf %get3A_459, %get3A_301 : vector<16xf32>
        tpu.vector_store_idx %arg10[%select_n3A_62, %select_n3A_178, %broadcast_in_dim3A_452], %add3A_460 : memref<8x8x133xf32, #tpu.memory_space<vmem>>[vector<16xi32>, vector<16xi32>, vector<16xi32>], vector<16xf32>,
        %get3A_461 = arith.index_cast %scan3A_451 : i32 to index
        %get3A_462 = arith.constant 32 : index
        %get3A_463 = tpu.vector_load %arg8[%get3A_461, %get3A_462] {strides = array<i32>} : memref<128x64xf32, #tpu.memory_space<vmem>>, vector<16xf32>,
        %add3A_464 = arith.addf %get3A_463, %get3A_304 : vector<16xf32>
        tpu.vector_store_idx %arg10[%select_n3A_96, %select_n3A_203, %broadcast_in_dim3A_452], %add3A_464 : memref<8x8x133xf32, #tpu.memory_space<vmem>>[vector<16xi32>, vector<16xi32>, vector<16xi32>], vector<16xf32>,
        %get3A_465 = arith.index_cast %scan3A_451 : i32 to index
        %get3A_466 = arith.constant 48 : index
        %get3A_467 = tpu.vector_load %arg8[%get3A_465, %get3A_466] {strides = array<i32>} : memref<128x64xf32, #tpu.memory_space<vmem>>, vector<16xf32>,
        %add3A_468 = arith.addf %get3A_467, %get3A_307 : vector<16xf32>
        tpu.vector_store_idx %arg10[%select_n3A_130, %select_n3A_228, %broadcast_in_dim3A_452], %add3A_468 : memref<8x8x133xf32, #tpu.memory_space<vmem>>[vector<16xi32>, vector<16xi32>, vector<16xi32>], vector<16xf32>,
      }
      %scan3A_313 = arith.constant 128 : i32
      %dma_start3A_314 = arith.constant 0 : i32
      %dma_start3A_315 = arith.constant 0 : i32
      %dma_start3A_316 = arith.constant 0 : i32
      %dma_start3A_317 = tpu.memref_slice %arg10[%dma_start3A_314, %dma_start3A_315, %dma_start3A_316] : memref<8x8x133xf32, #tpu.memory_space<vmem>> -> memref<8x8x128xf32, #tpu.memory_space<vmem>>
      %dma_start3A_318 = arith.constant 0 : i32
      %dma_start3A_319 = arith.constant 0 : i32
      %dma_start3A_320 = arith.constant 0 : i32
      %dma_start3A_321 = tpu.memref_slice %arg5[%add3A_288, %dma_start3A_318, %add3A, %dma_start3A_319, %dma_start3A_320] : memref<200x8x32x8x128xf32, #tpu.memory_space<hbm>> -> memref<1x8x1x8x128xf32, #tpu.memory_space<hbm>>
      %dma_start3A_322 = tpu.memref_squeeze %dma_start3A_321 : memref<1x8x1x8x128xf32, #tpu.memory_space<hbm>> -> memref<8x8x128xf32, #tpu.memory_space<hbm>>
      %dma_start3A_323 = arith.constant 0 : i32
      %dma_start3A_324 = arith.constant 0 : i32
      %dma_start3A_325 = arith.constant 0 : i32
      %dma_start3A_326 = tpu.memref_slice %arg5[%add3A_288, %dma_start3A_323, %add3A, %dma_start3A_324, %dma_start3A_325] : memref<200x8x32x8x128xf32, #tpu.memory_space<hbm>> -> memref<1x8x1x8x128xf32, #tpu.memory_space<hbm>>
      %dma_start3A_327 = tpu.memref_squeeze %dma_start3A_326 : memref<1x8x1x8x128xf32, #tpu.memory_space<hbm>> -> memref<8x8x128xf32, #tpu.memory_space<hbm>>
      %dma_start3A_328 = arith.constant 0 : i32
      %dma_start3A_329 = arith.constant 0 : i32
      %dma_start3A_330 = arith.constant 0 : i32
      %dma_start3A_331 = tpu.memref_slice %arg10[%dma_start3A_328, %dma_start3A_329, %dma_start3A_330] : memref<8x8x133xf32, #tpu.memory_space<vmem>> -> memref<8x8x128xf32, #tpu.memory_space<vmem>>
      tpu.enqueue_dma source(%dma_start3A_331 : memref<8x8x128xf32, #tpu.memory_space<vmem>>) target(%dma_start3A_327 : memref<8x8x128xf32, #tpu.memory_space<hbm>>) target_semaphore(%arg14 : memref<!tpu.dma_semaphore, #tpu.memory_space<semaphore_mem>>)
      %add3A_332 = arith.constant 2 : i32
      %add3A_333 = arith.addi %add3A_288, %add3A_332 : i32
      %lt3A_334 = arith.constant 200 : i32
      %lt3A_335 = arith.cmpi slt, %add3A_333, %lt3A_334 : i32
      %convert_element_type3A_336 = arith.extui %lt3A_335 : i1 to i32
      %cond3A_337 = arith.constant 0 : i32
      %cond3A_338 = arith.cmpi ne, %convert_element_type3A_336, %cond3A_337 : i32
      scf.if %cond3A_338 {
        %add3A_395 = arith.constant 2 : i32
        %add3A_396 = arith.addi %add3A_288, %add3A_395 : i32
        %dma_start3A_397 = arith.constant 0 : i32
        %dma_start3A_398 = tpu.memref_slice %arg6[%add3A_396, %dma_start3A_397] : memref<200x128xi32, #tpu.memory_space<vmem>> -> memref<1x128xi32, #tpu.memory_space<vmem>>
        %dma_start3A_399 = tpu.memref_squeeze %dma_start3A_398 : memref<1x128xi32, #tpu.memory_space<vmem>> -> memref<128xi32, #tpu.memory_space<vmem>>
        %dma_start3A_400 = arith.constant 0 : i32
        %dma_start3A_401 = arith.constant 0 : i32
        %dma_start3A_402 = tpu.memref_slice %arg3[%dma_start3A_400, %dma_start3A_401] : memref<100000x64xf32, #tpu.memory_space<hbm>> -> memref<100000x64xf32, #tpu.memory_space<hbm>>
        tpu.enqueue_indirect_dma source(%dma_start3A_402 : memref<100000x64xf32, #tpu.memory_space<hbm>>) target(%arg8 : memref<128x64xf32, #tpu.memory_space<vmem>>) offsets(%dma_start3A_399 : memref<128xi32, #tpu.memory_space<vmem>>) semaphore(%arg12 : memref<!tpu.dma_semaphore, #tpu.memory_space<semaphore_mem>>)
      } else {
      }
      %add3A_339 = arith.constant 1 : i32
      %add3A_340 = arith.addi %mul3A_286, %add3A_339 : i32
      %dma_wait3A_341 = arith.constant 0 : i32
      %dma_wait3A_342 = tpu.memref_slice %arg6[%add3A_340, %dma_wait3A_341] : memref<200x128xi32, #tpu.memory_space<vmem>> -> memref<1x128xi32, #tpu.memory_space<vmem>>
      %dma_wait3A_343 = tpu.memref_squeeze %dma_wait3A_342 : memref<1x128xi32, #tpu.memory_space<vmem>> -> memref<128xi32, #tpu.memory_space<vmem>>
      %dma_wait3A_344 = arith.constant 0 : i32
      %dma_wait3A_345 = arith.constant 0 : i32
      %dma_wait3A_346 = tpu.memref_slice %arg3[%dma_wait3A_344, %dma_wait3A_345] : memref<100000x64xf32, #tpu.memory_space<hbm>> -> memref<100000x64xf32, #tpu.memory_space<hbm>>
      tpu.wait_indirect_dma semaphore(%arg13 : memref<!tpu.dma_semaphore, #tpu.memory_space<semaphore_mem>>) src(%dma_wait3A_346 : memref<100000x64xf32, #tpu.memory_space<hbm>>) dst(%arg9 : memref<128x64xf32, #tpu.memory_space<vmem>>)
      %ge3A_347 = arith.constant 2 : i32
      %ge3A_348 = arith.cmpi sge, %add3A_340, %ge3A_347 : i32
      %convert_element_type3A_349 = arith.extui %ge3A_348 : i1 to i32
      %cond3A_350 = arith.constant 0 : i32
      %cond3A_351 = arith.cmpi ne, %convert_element_type3A_349, %cond3A_350 : i32
      scf.if %cond3A_351 {
        %dma_wait3A_395 = arith.constant 0 : i32
        %dma_wait3A_396 = arith.constant 0 : i32
        %dma_wait3A_397 = arith.constant 0 : i32
        %dma_wait3A_398 = arith.constant 0 : i32
        %dma_wait3A_399 = tpu.memref_slice %arg11[%dma_wait3A_396, %dma_wait3A_397, %dma_wait3A_398] : memref<8x8x133xf32, #tpu.memory_space<vmem>> -> memref<8x8x128xf32, #tpu.memory_space<vmem>>
        %dma_wait3A_400 = arith.constant 0 : i32
        %dma_wait3A_401 = arith.constant 0 : i32
        %dma_wait3A_402 = arith.constant 0 : i32
        %dma_wait3A_403 = tpu.memref_slice %arg5[%dma_wait3A_395, %dma_wait3A_400, %add3A, %dma_wait3A_401, %dma_wait3A_402] : memref<200x8x32x8x128xf32, #tpu.memory_space<hbm>> -> memref<1x8x1x8x128xf32, #tpu.memory_space<hbm>>
        %dma_wait3A_404 = tpu.memref_squeeze %dma_wait3A_403 : memref<1x8x1x8x128xf32, #tpu.memory_space<hbm>> -> memref<8x8x128xf32, #tpu.memory_space<hbm>>
        %dma_wait3A_405 = arith.constant 0 : i32
        %dma_wait3A_406 = arith.constant 0 : i32
        %dma_wait3A_407 = arith.constant 0 : i32
        %dma_wait3A_408 = tpu.memref_slice %arg5[%dma_wait3A_395, %dma_wait3A_405, %add3A, %dma_wait3A_406, %dma_wait3A_407] : memref<200x8x32x8x128xf32, #tpu.memory_space<hbm>> -> memref<1x8x1x8x128xf32, #tpu.memory_space<hbm>>
        %dma_wait3A_409 = tpu.memref_squeeze %dma_wait3A_408 : memref<1x8x1x8x128xf32, #tpu.memory_space<hbm>> -> memref<8x8x128xf32, #tpu.memory_space<hbm>>
        %dma_wait3A_410 = arith.constant 0 : i32
        %dma_wait3A_411 = arith.constant 0 : i32
        %dma_wait3A_412 = arith.constant 0 : i32
        %dma_wait3A_413 = tpu.memref_slice %arg11[%dma_wait3A_410, %dma_wait3A_411, %dma_wait3A_412] : memref<8x8x133xf32, #tpu.memory_space<vmem>> -> memref<8x8x128xf32, #tpu.memory_space<vmem>>
        tpu.wait_dma2 semaphore(%arg15 : memref<!tpu.dma_semaphore, #tpu.memory_space<semaphore_mem>>) src(%dma_wait3A_413 : memref<8x8x128xf32, #tpu.memory_space<vmem>>) dst(%dma_wait3A_409 : memref<8x8x128xf32, #tpu.memory_space<hbm>>)
      } else {
      }
      %get3A_352 = arith.index_cast %add3A_340 : i32 to index
      %get3A_353 = arith.constant 0 : index
      %get3A_354 = tpu.vector_load %arg7[%get3A_352, %get3A_353] {strides = array<i32>} : memref<200x64xf32, #tpu.memory_space<vmem>>, vector<16xf32>,
      %get3A_355 = arith.index_cast %add3A_340 : i32 to index
      %get3A_356 = arith.constant 16 : index
      %get3A_357 = tpu.vector_load %arg7[%get3A_355, %get3A_356] {strides = array<i32>} : memref<200x64xf32, #tpu.memory_space<vmem>>, vector<16xf32>,
      %get3A_358 = arith.index_cast %add3A_340 : i32 to index
      %get3A_359 = arith.constant 32 : index
      %get3A_360 = tpu.vector_load %arg7[%get3A_358, %get3A_359] {strides = array<i32>} : memref<200x64xf32, #tpu.memory_space<vmem>>, vector<16xf32>,
      %get3A_361 = arith.index_cast %add3A_340 : i32 to index
      %get3A_362 = arith.constant 48 : index
      %get3A_363 = tpu.vector_load %arg7[%get3A_361, %get3A_362] {strides = array<i32>} : memref<200x64xf32, #tpu.memory_space<vmem>>, vector<16xf32>,
      %scan3A_364 = arith.constant 0 : i32
      %scan3A_365 = arith.constant 0 : i32
      %scan3A_366 = arith.constant 128 : i32
      %scan3A_367 = arith.addi %scan3A_365, %scan3A_366 : i32
      %scan3A_368 = arith.constant 4 : i32
      scf.for %scan3A_395 = %scan3A_365 to %scan3A_367 step %scan3A_368  : i32 {
        %broadcast_in_dim3A = vector.broadcast %scan3A_395 : i32 to vector<16xi32>
        %get3A_396 = arith.index_cast %scan3A_395 : i32 to index
        %get3A_397 = arith.constant 0 : index
        %get3A_398 = tpu.vector_load %arg9[%get3A_396, %get3A_397] {strides = array<i32>} : memref<128x64xf32, #tpu.memory_space<vmem>>, vector<16xf32>,
        %add3A_399 = arith.addf %get3A_398, %get3A_354 : vector<16xf32>
        tpu.vector_store_idx %arg11[%select_n3A, %select_n3A_153, %broadcast_in_dim3A], %add3A_399 : memref<8x8x133xf32, #tpu.memory_space<vmem>>[vector<16xi32>, vector<16xi32>, vector<16xi32>], vector<16xf32>,
        %get3A_400 = arith.index_cast %scan3A_395 : i32 to index
        %get3A_401 = arith.constant 16 : index
        %get3A_402 = tpu.vector_load %arg9[%get3A_400, %get3A_401] {strides = array<i32>} : memref<128x64xf32, #tpu.memory_space<vmem>>, vector<16xf32>,
        %add3A_403 = arith.addf %get3A_402, %get3A_357 : vector<16xf32>
        tpu.vector_store_idx %arg11[%select_n3A_62, %select_n3A_178, %broadcast_in_dim3A], %add3A_403 : memref<8x8x133xf32, #tpu.memory_space<vmem>>[vector<16xi32>, vector<16xi32>, vector<16xi32>], vector<16xf32>,
        %get3A_404 = arith.index_cast %scan3A_395 : i32 to index
        %get3A_405 = arith.constant 32 : index
        %get3A_406 = tpu.vector_load %arg9[%get3A_404, %get3A_405] {strides = array<i32>} : memref<128x64xf32, #tpu.memory_space<vmem>>, vector<16xf32>,
        %add3A_407 = arith.addf %get3A_406, %get3A_360 : vector<16xf32>
        tpu.vector_store_idx %arg11[%select_n3A_96, %select_n3A_203, %broadcast_in_dim3A], %add3A_407 : memref<8x8x133xf32, #tpu.memory_space<vmem>>[vector<16xi32>, vector<16xi32>, vector<16xi32>], vector<16xf32>,
        %get3A_408 = arith.index_cast %scan3A_395 : i32 to index
        %get3A_409 = arith.constant 48 : index
        %get3A_410 = tpu.vector_load %arg9[%get3A_408, %get3A_409] {strides = array<i32>} : memref<128x64xf32, #tpu.memory_space<vmem>>, vector<16xf32>,
        %add3A_411 = arith.addf %get3A_410, %get3A_363 : vector<16xf32>
        tpu.vector_store_idx %arg11[%select_n3A_130, %select_n3A_228, %broadcast_in_dim3A], %add3A_411 : memref<8x8x133xf32, #tpu.memory_space<vmem>>[vector<16xi32>, vector<16xi32>, vector<16xi32>], vector<16xf32>,
        %scan3A_412 = arith.constant 1 : i32
        %scan3A_413 = arith.addi %scan3A_395, %scan3A_412 : i32
        %broadcast_in_dim3A_414 = vector.broadcast %scan3A_413 : i32 to vector<16xi32>
        %get3A_415 = arith.index_cast %scan3A_413 : i32 to index
        %get3A_416 = arith.constant 0 : index
        %get3A_417 = tpu.vector_load %arg9[%get3A_415, %get3A_416] {strides = array<i32>} : memref<128x64xf32, #tpu.memory_space<vmem>>, vector<16xf32>,
        %add3A_418 = arith.addf %get3A_417, %get3A_354 : vector<16xf32>
        tpu.vector_store_idx %arg11[%select_n3A, %select_n3A_153, %broadcast_in_dim3A_414], %add3A_418 : memref<8x8x133xf32, #tpu.memory_space<vmem>>[vector<16xi32>, vector<16xi32>, vector<16xi32>], vector<16xf32>,
        %get3A_419 = arith.index_cast %scan3A_413 : i32 to index
        %get3A_420 = arith.constant 16 : index
        %get3A_421 = tpu.vector_load %arg9[%get3A_419, %get3A_420] {strides = array<i32>} : memref<128x64xf32, #tpu.memory_space<vmem>>, vector<16xf32>,
        %add3A_422 = arith.addf %get3A_421, %get3A_357 : vector<16xf32>
        tpu.vector_store_idx %arg11[%select_n3A_62, %select_n3A_178, %broadcast_in_dim3A_414], %add3A_422 : memref<8x8x133xf32, #tpu.memory_space<vmem>>[vector<16xi32>, vector<16xi32>, vector<16xi32>], vector<16xf32>,
        %get3A_423 = arith.index_cast %scan3A_413 : i32 to index
        %get3A_424 = arith.constant 32 : index
        %get3A_425 = tpu.vector_load %arg9[%get3A_423, %get3A_424] {strides = array<i32>} : memref<128x64xf32, #tpu.memory_space<vmem>>, vector<16xf32>,
        %add3A_426 = arith.addf %get3A_425, %get3A_360 : vector<16xf32>
        tpu.vector_store_idx %arg11[%select_n3A_96, %select_n3A_203, %broadcast_in_dim3A_414], %add3A_426 : memref<8x8x133xf32, #tpu.memory_space<vmem>>[vector<16xi32>, vector<16xi32>, vector<16xi32>], vector<16xf32>,
        %get3A_427 = arith.index_cast %scan3A_413 : i32 to index
        %get3A_428 = arith.constant 48 : index
        %get3A_429 = tpu.vector_load %arg9[%get3A_427, %get3A_428] {strides = array<i32>} : memref<128x64xf32, #tpu.memory_space<vmem>>, vector<16xf32>,
        %add3A_430 = arith.addf %get3A_429, %get3A_363 : vector<16xf32>
        tpu.vector_store_idx %arg11[%select_n3A_130, %select_n3A_228, %broadcast_in_dim3A_414], %add3A_430 : memref<8x8x133xf32, #tpu.memory_space<vmem>>[vector<16xi32>, vector<16xi32>, vector<16xi32>], vector<16xf32>,
        %scan3A_431 = arith.constant 2 : i32
        %scan3A_432 = arith.addi %scan3A_395, %scan3A_431 : i32
        %broadcast_in_dim3A_433 = vector.broadcast %scan3A_432 : i32 to vector<16xi32>
        %get3A_434 = arith.index_cast %scan3A_432 : i32 to index
        %get3A_435 = arith.constant 0 : index
        %get3A_436 = tpu.vector_load %arg9[%get3A_434, %get3A_435] {strides = array<i32>} : memref<128x64xf32, #tpu.memory_space<vmem>>, vector<16xf32>,
        %add3A_437 = arith.addf %get3A_436, %get3A_354 : vector<16xf32>
        tpu.vector_store_idx %arg11[%select_n3A, %select_n3A_153, %broadcast_in_dim3A_433], %add3A_437 : memref<8x8x133xf32, #tpu.memory_space<vmem>>[vector<16xi32>, vector<16xi32>, vector<16xi32>], vector<16xf32>,
        %get3A_438 = arith.index_cast %scan3A_432 : i32 to index
        %get3A_439 = arith.constant 16 : index
        %get3A_440 = tpu.vector_load %arg9[%get3A_438, %get3A_439] {strides = array<i32>} : memref<128x64xf32, #tpu.memory_space<vmem>>, vector<16xf32>,
        %add3A_441 = arith.addf %get3A_440, %get3A_357 : vector<16xf32>
        tpu.vector_store_idx %arg11[%select_n3A_62, %select_n3A_178, %broadcast_in_dim3A_433], %add3A_441 : memref<8x8x133xf32, #tpu.memory_space<vmem>>[vector<16xi32>, vector<16xi32>, vector<16xi32>], vector<16xf32>,
        %get3A_442 = arith.index_cast %scan3A_432 : i32 to index
        %get3A_443 = arith.constant 32 : index
        %get3A_444 = tpu.vector_load %arg9[%get3A_442, %get3A_443] {strides = array<i32>} : memref<128x64xf32, #tpu.memory_space<vmem>>, vector<16xf32>,
        %add3A_445 = arith.addf %get3A_444, %get3A_360 : vector<16xf32>
        tpu.vector_store_idx %arg11[%select_n3A_96, %select_n3A_203, %broadcast_in_dim3A_433], %add3A_445 : memref<8x8x133xf32, #tpu.memory_space<vmem>>[vector<16xi32>, vector<16xi32>, vector<16xi32>], vector<16xf32>,
        %get3A_446 = arith.index_cast %scan3A_432 : i32 to index
        %get3A_447 = arith.constant 48 : index
        %get3A_448 = tpu.vector_load %arg9[%get3A_446, %get3A_447] {strides = array<i32>} : memref<128x64xf32, #tpu.memory_space<vmem>>, vector<16xf32>,
        %add3A_449 = arith.addf %get3A_448, %get3A_363 : vector<16xf32>
        tpu.vector_store_idx %arg11[%select_n3A_130, %select_n3A_228, %broadcast_in_dim3A_433], %add3A_449 : memref<8x8x133xf32, #tpu.memory_space<vmem>>[vector<16xi32>, vector<16xi32>, vector<16xi32>], vector<16xf32>,
        %scan3A_450 = arith.constant 3 : i32
        %scan3A_451 = arith.addi %scan3A_395, %scan3A_450 : i32
        %broadcast_in_dim3A_452 = vector.broadcast %scan3A_451 : i32 to vector<16xi32>
        %get3A_453 = arith.index_cast %scan3A_451 : i32 to index
        %get3A_454 = arith.constant 0 : index
        %get3A_455 = tpu.vector_load %arg9[%get3A_453, %get3A_454] {strides = array<i32>} : memref<128x64xf32, #tpu.memory_space<vmem>>, vector<16xf32>,
        %add3A_456 = arith.addf %get3A_455, %get3A_354 : vector<16xf32>
        tpu.vector_store_idx %arg11[%select_n3A, %select_n3A_153, %broadcast_in_dim3A_452], %add3A_456 : memref<8x8x133xf32, #tpu.memory_space<vmem>>[vector<16xi32>, vector<16xi32>, vector<16xi32>], vector<16xf32>,
        %get3A_457 = arith.index_cast %scan3A_451 : i32 to index
        %get3A_458 = arith.constant 16 : index
        %get3A_459 = tpu.vector_load %arg9[%get3A_457, %get3A_458] {strides = array<i32>} : memref<128x64xf32, #tpu.memory_space<vmem>>, vector<16xf32>,
        %add3A_460 = arith.addf %get3A_459, %get3A_357 : vector<16xf32>
        tpu.vector_store_idx %arg11[%select_n3A_62, %select_n3A_178, %broadcast_in_dim3A_452], %add3A_460 : memref<8x8x133xf32, #tpu.memory_space<vmem>>[vector<16xi32>, vector<16xi32>, vector<16xi32>], vector<16xf32>,
        %get3A_461 = arith.index_cast %scan3A_451 : i32 to index
        %get3A_462 = arith.constant 32 : index
        %get3A_463 = tpu.vector_load %arg9[%get3A_461, %get3A_462] {strides = array<i32>} : memref<128x64xf32, #tpu.memory_space<vmem>>, vector<16xf32>,
        %add3A_464 = arith.addf %get3A_463, %get3A_360 : vector<16xf32>
        tpu.vector_store_idx %arg11[%select_n3A_96, %select_n3A_203, %broadcast_in_dim3A_452], %add3A_464 : memref<8x8x133xf32, #tpu.memory_space<vmem>>[vector<16xi32>, vector<16xi32>, vector<16xi32>], vector<16xf32>,
        %get3A_465 = arith.index_cast %scan3A_451 : i32 to index
        %get3A_466 = arith.constant 48 : index
        %get3A_467 = tpu.vector_load %arg9[%get3A_465, %get3A_466] {strides = array<i32>} : memref<128x64xf32, #tpu.memory_space<vmem>>, vector<16xf32>,
        %add3A_468 = arith.addf %get3A_467, %get3A_363 : vector<16xf32>
        tpu.vector_store_idx %arg11[%select_n3A_130, %select_n3A_228, %broadcast_in_dim3A_452], %add3A_468 : memref<8x8x133xf32, #tpu.memory_space<vmem>>[vector<16xi32>, vector<16xi32>, vector<16xi32>], vector<16xf32>,
      }
      %scan3A_369 = arith.constant 128 : i32
      %dma_start3A_370 = arith.constant 0 : i32
      %dma_start3A_371 = arith.constant 0 : i32
      %dma_start3A_372 = arith.constant 0 : i32
      %dma_start3A_373 = tpu.memref_slice %arg11[%dma_start3A_370, %dma_start3A_371, %dma_start3A_372] : memref<8x8x133xf32, #tpu.memory_space<vmem>> -> memref<8x8x128xf32, #tpu.memory_space<vmem>>
      %dma_start3A_374 = arith.constant 0 : i32
      %dma_start3A_375 = arith.constant 0 : i32
      %dma_start3A_376 = arith.constant 0 : i32
      %dma_start3A_377 = tpu.memref_slice %arg5[%add3A_340, %dma_start3A_374, %add3A, %dma_start3A_375, %dma_start3A_376] : memref<200x8x32x8x128xf32, #tpu.memory_space<hbm>> -> memref<1x8x1x8x128xf32, #tpu.memory_space<hbm>>
      %dma_start3A_378 = tpu.memref_squeeze %dma_start3A_377 : memref<1x8x1x8x128xf32, #tpu.memory_space<hbm>> -> memref<8x8x128xf32, #tpu.memory_space<hbm>>
      %dma_start3A_379 = arith.constant 0 : i32
      %dma_start3A_380 = arith.constant 0 : i32
      %dma_start3A_381 = arith.constant 0 : i32
      %dma_start3A_382 = tpu.memref_slice %arg5[%add3A_340, %dma_start3A_379, %add3A, %dma_start3A_380, %dma_start3A_381] : memref<200x8x32x8x128xf32, #tpu.memory_space<hbm>> -> memref<1x8x1x8x128xf32, #tpu.memory_space<hbm>>
      %dma_start3A_383 = tpu.memref_squeeze %dma_start3A_382 : memref<1x8x1x8x128xf32, #tpu.memory_space<hbm>> -> memref<8x8x128xf32, #tpu.memory_space<hbm>>
      %dma_start3A_384 = arith.constant 0 : i32
      %dma_start3A_385 = arith.constant 0 : i32
      %dma_start3A_386 = arith.constant 0 : i32
      %dma_start3A_387 = tpu.memref_slice %arg11[%dma_start3A_384, %dma_start3A_385, %dma_start3A_386] : memref<8x8x133xf32, #tpu.memory_space<vmem>> -> memref<8x8x128xf32, #tpu.memory_space<vmem>>
      tpu.enqueue_dma source(%dma_start3A_387 : memref<8x8x128xf32, #tpu.memory_space<vmem>>) target(%dma_start3A_383 : memref<8x8x128xf32, #tpu.memory_space<hbm>>) target_semaphore(%arg15 : memref<!tpu.dma_semaphore, #tpu.memory_space<semaphore_mem>>)
      %add3A_388 = arith.constant 2 : i32
      %add3A_389 = arith.addi %add3A_340, %add3A_388 : i32
      %lt3A_390 = arith.constant 200 : i32
      %lt3A_391 = arith.cmpi slt, %add3A_389, %lt3A_390 : i32
      %convert_element_type3A_392 = arith.extui %lt3A_391 : i1 to i32
      %cond3A_393 = arith.constant 0 : i32
      %cond3A_394 = arith.cmpi ne, %convert_element_type3A_392, %cond3A_393 : i32
      scf.if %cond3A_394 {
        %add3A_395 = arith.constant 2 : i32
        %add3A_396 = arith.addi %add3A_340, %add3A_395 : i32
        %dma_start3A_397 = arith.constant 0 : i32
        %dma_start3A_398 = tpu.memref_slice %arg6[%add3A_396, %dma_start3A_397] : memref<200x128xi32, #tpu.memory_space<vmem>> -> memref<1x128xi32, #tpu.memory_space<vmem>>
        %dma_start3A_399 = tpu.memref_squeeze %dma_start3A_398 : memref<1x128xi32, #tpu.memory_space<vmem>> -> memref<128xi32, #tpu.memory_space<vmem>>
        %dma_start3A_400 = arith.constant 0 : i32
        %dma_start3A_401 = arith.constant 0 : i32
        %dma_start3A_402 = tpu.memref_slice %arg3[%dma_start3A_400, %dma_start3A_401] : memref<100000x64xf32, #tpu.memory_space<hbm>> -> memref<100000x64xf32, #tpu.memory_space<hbm>>
        tpu.enqueue_indirect_dma source(%dma_start3A_402 : memref<100000x64xf32, #tpu.memory_space<hbm>>) target(%arg9 : memref<128x64xf32, #tpu.memory_space<vmem>>) offsets(%dma_start3A_399 : memref<128xi32, #tpu.memory_space<vmem>>) semaphore(%arg13 : memref<!tpu.dma_semaphore, #tpu.memory_space<semaphore_mem>>)
      } else {
      }
    }
    %scan3A_246 = arith.constant 100 : i32
    %dma_wait3A = arith.constant 0 : i32
    %dma_wait3A_247 = arith.constant 0 : i32
    %dma_wait3A_248 = arith.constant 0 : i32
    %dma_wait3A_249 = arith.constant 0 : i32
    %dma_wait3A_250 = tpu.memref_slice %arg10[%dma_wait3A_247, %dma_wait3A_248, %dma_wait3A_249] : memref<8x8x133xf32, #tpu.memory_space<vmem>> -> memref<8x8x128xf32, #tpu.memory_space<vmem>>
    %dma_wait3A_251 = arith.constant 0 : i32
    %dma_wait3A_252 = arith.constant 0 : i32
    %dma_wait3A_253 = arith.constant 0 : i32
    %dma_wait3A_254 = tpu.memref_slice %arg5[%dma_wait3A, %dma_wait3A_251, %add3A, %dma_wait3A_252, %dma_wait3A_253] : memref<200x8x32x8x128xf32, #tpu.memory_space<hbm>> -> memref<1x8x1x8x128xf32, #tpu.memory_space<hbm>>
    %dma_wait3A_255 = tpu.memref_squeeze %dma_wait3A_254 : memref<1x8x1x8x128xf32, #tpu.memory_space<hbm>> -> memref<8x8x128xf32, #tpu.memory_space<hbm>>
    %dma_wait3A_256 = arith.constant 0 : i32
    %dma_wait3A_257 = arith.constant 0 : i32
    %dma_wait3A_258 = arith.constant 0 : i32
    %dma_wait3A_259 = tpu.memref_slice %arg5[%dma_wait3A, %dma_wait3A_256, %add3A, %dma_wait3A_257, %dma_wait3A_258] : memref<200x8x32x8x128xf32, #tpu.memory_space<hbm>> -> memref<1x8x1x8x128xf32, #tpu.memory_space<hbm>>
    %dma_wait3A_260 = tpu.memref_squeeze %dma_wait3A_259 : memref<1x8x1x8x128xf32, #tpu.memory_space<hbm>> -> memref<8x8x128xf32, #tpu.memory_space<hbm>>
    %dma_wait3A_261 = arith.constant 0 : i32
    %dma_wait3A_262 = arith.constant 0 : i32
    %dma_wait3A_263 = arith.constant 0 : i32
    %dma_wait3A_264 = tpu.memref_slice %arg10[%dma_wait3A_261, %dma_wait3A_262, %dma_wait3A_263] : memref<8x8x133xf32, #tpu.memory_space<vmem>> -> memref<8x8x128xf32, #tpu.memory_space<vmem>>
    tpu.wait_dma2 semaphore(%arg14 : memref<!tpu.dma_semaphore, #tpu.memory_space<semaphore_mem>>) src(%dma_wait3A_264 : memref<8x8x128xf32, #tpu.memory_space<vmem>>) dst(%dma_wait3A_260 : memref<8x8x128xf32, #tpu.memory_space<hbm>>)
    %dma_wait3A_265 = arith.constant 0 : i32
    %dma_wait3A_266 = arith.constant 0 : i32
    %dma_wait3A_267 = arith.constant 0 : i32
    %dma_wait3A_268 = arith.constant 0 : i32
    %dma_wait3A_269 = tpu.memref_slice %arg11[%dma_wait3A_266, %dma_wait3A_267, %dma_wait3A_268] : memref<8x8x133xf32, #tpu.memory_space<vmem>> -> memref<8x8x128xf32, #tpu.memory_space<vmem>>
    %dma_wait3A_270 = arith.constant 0 : i32
    %dma_wait3A_271 = arith.constant 0 : i32
    %dma_wait3A_272 = arith.constant 0 : i32
    %dma_wait3A_273 = tpu.memref_slice %arg5[%dma_wait3A_265, %dma_wait3A_270, %add3A, %dma_wait3A_271, %dma_wait3A_272] : memref<200x8x32x8x128xf32, #tpu.memory_space<hbm>> -> memref<1x8x1x8x128xf32, #tpu.memory_space<hbm>>
    %dma_wait3A_274 = tpu.memref_squeeze %dma_wait3A_273 : memref<1x8x1x8x128xf32, #tpu.memory_space<hbm>> -> memref<8x8x128xf32, #tpu.memory_space<hbm>>
    %dma_wait3A_275 = arith.constant 0 : i32
    %dma_wait3A_276 = arith.constant 0 : i32
    %dma_wait3A_277 = arith.constant 0 : i32
    %dma_wait3A_278 = tpu.memref_slice %arg5[%dma_wait3A_265, %dma_wait3A_275, %add3A, %dma_wait3A_276, %dma_wait3A_277] : memref<200x8x32x8x128xf32, #tpu.memory_space<hbm>> -> memref<1x8x1x8x128xf32, #tpu.memory_space<hbm>>
    %dma_wait3A_279 = tpu.memref_squeeze %dma_wait3A_278 : memref<1x8x1x8x128xf32, #tpu.memory_space<hbm>> -> memref<8x8x128xf32, #tpu.memory_space<hbm>>
    %dma_wait3A_280 = arith.constant 0 : i32
    %dma_wait3A_281 = arith.constant 0 : i32
    %dma_wait3A_282 = arith.constant 0 : i32
    %dma_wait3A_283 = tpu.memref_slice %arg11[%dma_wait3A_280, %dma_wait3A_281, %dma_wait3A_282] : memref<8x8x133xf32, #tpu.memory_space<vmem>> -> memref<8x8x128xf32, #tpu.memory_space<vmem>>
    tpu.wait_dma2 semaphore(%arg15 : memref<!tpu.dma_semaphore, #tpu.memory_space<semaphore_mem>>) src(%dma_wait3A_283 : memref<8x8x128xf32, #tpu.memory_space<vmem>>) dst(%dma_wait3A_279 : memref<8x8x128xf32, #tpu.memory_space<hbm>>)
    return
  }
}

</mosaic_0001>

<sc_bundles>
// kernel: kernel.3.cloned.1.call-start
scs
__scs_entry_jumppad:
0x0: {  	(pc) =	sbr.rel $0x88, $3  }
0x1: {  	(tag) =	ssettag $0x0;
	lr =	simm.s32 $0x1  }
0x2: {  	[smem:$0x3F9F] =	sst lr;
	_ =	strace $0xD0000000  }
0x3: {  	_ = 	snop  }
0x4: {  	_ = 	snop  }
0x5: {  	_ = 	snop  }
0x6: {  	_ = 	snop  }
0x7: {  	_ = 	snop  }
__scs_overlays_trampoline_lowered:
0x8: {  	[smem:$0x3FAE] =	sst s0  }
0x9: {  	[smem:$0x3FAF] =	sst s1  }
0xa: {  	[smem:$0x3FB0] =	sst s2  }
0xb: {  	[smem:$0x3FB1] =	sst s3  }
0xc: {  	[smem:$0x3FB2] =	sst s4  }
0xd: {  	[smem:$0x3FB3] =	sst s5  }
0xe: {  	[smem:$0x3FB4] =	sst s6  }
0xf: {  	[smem:$0x3FB5] =	sst s7  }
0x10: {  	[smem:$0x3FB6] =	sst s8  }
0x11: {  	[smem:$0x3FB7] =	sst s9;
	s0 =	simm.s32 @!p0 $0x0  }
0x12: {  	s1 =	sld [smem:$0x3F9D];
	s0 =	simm.s32 @p0 $0x1  }
0x13: {  	[smem:$0x3FB8] =	sst s0;
	s0 =	simm.s32 @!p1 $0x0  }
0x14: {  	s2 =	sld [smem:$0x3F9C];
	s0 =	simm.s32 @p1 $0x1  }
0x15: {  	[smem:$0x3FB9] =	sst s0;
	s0 =	simm.s32 @!p2 $0x0  }
0x16: {  	s3 =	sld [smem:$0x3FDB];
	s0 =	simm.s32 @p2 $0x1  }
0x17: {  	s4 =	simm.s32 $0x1BF5;
	[smem:$0x3FBB] =	sst s0  }
0x18: {  	s0 =	sld [smem:$0x3F9E];
	_ =	swait.ge [sflag:s4], $0x0  }
0x19: {  	s7 =	sld [smem:$0x3F9F]  }
0x1a: {  	s8 =	sadd.s32 $0xFFFFE003, lr  }
0x1b: {  	s9 =	sadd.s32 $0xFFFFFEF7, lr;
	s5 =	simm.s32 $0xFFFFFFFF;
	p2 =	slt.u32 s8, $0xFFFFF086  }
0x1c: {  	p1 =	slt.u32 s9, $0xF7A;
	s5 =	simm.s32 @!p2 $0x0  }
0x1d: {  	s5 =	simm.s32 @p1 $0x1;
	p0 =	seq.s32 s7, s2  }
0x1e: {  	s7 =	smul.u32 @!p0 $0xF7A, s2;
	p2 =	seq.s32 @!p0 s5, $0x0  }
0x1f: {  	s9 =	smul.u32 $0xF7A, s1;
	s8 =	simm.s32 @!p0 $0x1BF5;
	p2 =	por !p2, p0  }
0x20: {  	[sflag:s8] =	ssyncset.s32 @!p0 $0xFFFFF086;
	s6 =	sadd.s32 @!p0 s3, s7;
	s7 =	simm.s32 @!p0 $0x108  }
0x21: {  	s3 =	sadd.s32 s3, s9;
	s6 =	sadd.s32 @!p0 $0x88, s6;
	s7 =	simm.s32 @p2 $0x1082  }
0x22: {  	[simem:s7], [sflag:s8] =	dma.local @!p0 [hbm:s6], $0xF7A  }
0x23: {  	s9 =	sor.u32 $0xD0000000, s2;
	s6 =	simm.s32 $0x108;
	_ =	swait.ge @!p0 [sflag:s8], $0x0  }
0x24: {  	s3 =	sadd.s32 $0x88, s3;
	s6 =	simm.s32 @!p1 $0x1082;
	[sflag:s4] =	ssyncset.s32 $0xFFFFF086  }
0x25: {  	[simem:s6], [sflag:s4] =	dma.local [hbm:s3], $0xF7A  }
0x26: {  	[smem:$0x3F9F] =	sst s1;
	(tag) =	ssettag s2;
	_ =	strace s9  }
0x27: {  	s1 =	sld [smem:$0x3FAF]  }
0x28: {  	s2 =	sld [smem:$0x3FB0]  }
0x29: {  	s4 =	sld [smem:$0x3FB2]  }
0x2a: {  	p0 =	seq.s32 s5, $0x0;
	s5 =	sld [smem:$0x3FB3]  }
0x2b: {  	s6 =	sld [smem:$0x3FB4]  }
0x2c: {  	s7 =	sld [smem:$0x3FB5]  }
0x2d: {  	s3 =	simm.s32 $0x108;
	s8 =	sld [smem:$0x3FB6]  }
0x2e: {  	s3 =	simm.s32 @!p0 $0x1082;
	s9 =	sld [smem:$0x3FB7]  }
0x2f: {  	lr =	sadd.s32 s0, s3;
	s0 =	sld [smem:$0x3FAE]  }
0x30: {  	s3 =	sld [smem:$0x3FB1]  }
0x31: {  	[smem:$0x3FBA] =	sst s10  }
0x32: {  	s10 =	sld [smem:$0x3FB8];
	_ =	sdelay $0x3  }
0x33: {  	p0 =	seq.s32 s10, $0x1;
	s10 =	sld [smem:$0x3FBA];
	_ =	sdelay $0x3  }
0x34: {  	[smem:$0x3FBA] =	sst s10  }
0x35: {  	s10 =	sld [smem:$0x3FB9];
	_ =	sdelay $0x3  }
0x36: {  	p1 =	seq.s32 s10, $0x1;
	s10 =	sld [smem:$0x3FBA];
	_ =	sdelay $0x3  }
0x37: {  	[smem:$0x3FBA] =	sst s10  }
0x38: {  	s10 =	sld [smem:$0x3FBB]  }
0x39: {  	_ = 	snop;
	(pc) =	sbr.ind lr, $3  }
0x3a: {  	_ = 	snop  }
0x3b: {  	_ = 	snop  }
0x3c: {  	p2 =	seq.s32 s10, $0x1;
	s10 =	sld [smem:$0x3FBA]  }
0x3d: {  	_ =	shalt  }
0x3e: {  	_ =	shalt  }
0x3f: {  	_ =	shalt  }
0x40: {  	_ =	shalt  }
0x41: {  	_ =	shalt  }
0x42: {  	_ =	shalt  }
0x43: {  	_ =	shalt  }
0x44: {  	_ =	shalt  }
0x45: {  	_ =	shalt  }
0x46: {  	_ =	shalt  }
0x47: {  	_ =	shalt  }
0x48: {  	_ =	shalt  }
0x49: {  	_ =	shalt  }
0x4a: {  	_ =	shalt  }
0x4b: {  	_ =	shalt  }
0x4c: {  	_ =	shalt  }
0x4d: {  	_ =	shalt  }
0x4e: {  	_ =	shalt  }
0x4f: {  	_ =	shalt  }
0x50: {  	_ =	shalt  }
0x51: {  	_ =	shalt  }
0x52: {  	_ =	shalt  }
0x53: {  	_ =	shalt  }
0x54: {  	_ =	shalt  }
0x55: {  	_ =	shalt  }
0x56: {  	_ =	shalt  }
0x57: {  	_ =	shalt  }
0x58: {  	_ =	shalt  }
0x59: {  	_ =	shalt  }
0x5a: {  	_ =	shalt  }
0x5b: {  	_ =	shalt  }
0x5c: {  	_ =	shalt  }
0x5d: {  	_ =	shalt  }
0x5e: {  	_ =	shalt  }
0x5f: {  	_ =	shalt  }
0x60: {  	_ =	shalt  }
0x61: {  	_ =	shalt  }
0x62: {  	_ =	shalt  }
0x63: {  	_ =	shalt  }
0x64: {  	_ =	shalt  }
0x65: {  	_ =	shalt  }
0x66: {  	_ =	shalt  }
0x67: {  	_ =	shalt  }
0x68: {  	_ =	shalt  }
0x69: {  	_ =	shalt  }
0x6a: {  	_ =	shalt  }
0x6b: {  	_ =	shalt  }
0x6c: {  	_ =	shalt  }
0x6d: {  	_ =	shalt  }
0x6e: {  	_ =	shalt  }
0x6f: {  	_ =	shalt  }
0x70: {  	_ =	shalt  }
0x71: {  	_ =	shalt  }
0x72: {  	_ =	shalt  }
0x73: {  	_ =	shalt  }
0x74: {  	_ =	shalt  }
0x75: {  	_ =	shalt  }
0x76: {  	_ =	shalt  }
0x77: {  	_ =	shalt  }
0x78: {  	_ =	shalt  }
0x79: {  	_ =	shalt  }
0x7a: {  	_ =	shalt  }
0x7b: {  	_ =	shalt  }
0x7c: {  	_ =	shalt  }
0x7d: {  	_ =	shalt  }
0x7e: {  	_ =	shalt  }
0x7f: {  	_ =	shalt  }
0x80: {  	_ =	shalt  }
0x81: {  	_ =	shalt  }
0x82: {  	_ =	shalt  }
0x83: {  	_ =	shalt  }
0x84: {  	_ =	shalt  }
0x85: {  	_ =	shalt  }
0x86: {  	_ =	shalt  }
0x87: {  	_ =	shalt  }
.Lfunc_end0:
.L_simem_size_0:
called_computation_lowered:
.L_overlay_start_0:
0x88: {  	s2 =	sld [smem:$0x3FD9]  }
0x89: {  	s3 =	sld [smem:$0x3FFE];
	_ =	sdelay $0x1  }
0x8a: {  	s1 =	srdreg.scid  }
0x8b: {  	s0 =	sand.u32 $0x1, s1  }
0x8c: {  	s17 =	sshll.u32 s0, $0xA;
	s2 =	sadd.s32 s3, s2  }
0x8d: {  	s2 =	sadd.s32 s2, s17  }
0x8e: {  	[smem:$0x3FC6] =	sst s2  }
0x8f: {  	_ = 	snop  }
0x90: {  	s2 =	sld [smem:$0x3FD0];
	(tm) =	ssettm $0x1  }
0x91: {  	s18 =	sld [smem:$0x3FFB];
	_ =	sdelay $0x3  }
0x92: {  	_ =	strace s18  }
0x93: {  	s3 =	sld [smem:$0x3FFC];
	_ =	sdelay $0x3  }
0x94: {  	_ =	strace s3  }
0x95: {  	s3 =	sld [smem:$0x3FFD];
	_ =	sdelay $0x3  }
0x96: {  	_ =	strace s3  }
0x97: {  	_ =	strace $0x8FFFFFFF  }
0x98: {  	s19 =	sld [smem:$0x3FDB];
	_ =	sdelay $0x1  }
0x99: {  	s4 =	simm.s32 $_scs_section_size  }
0x9a: {  	s5 =	simm.s32 $_size__tile_overlayer_lowered;
	s6 =	simm.s32 $_tile_overlayer_lowered  }
0x9b: {  	s22 =	simm.s32 $0x1BFF;
	s21 =	sshll.u32 s6, $0x1;
	s3 =	sadd.s32 s4, s19  }
0x9c: {  	s7 =	simm.s32 $0x0;
	s20 =	sshll.u32 s5, $0x1;
	s5 =	sadd.s32 s21, s3  }
0x9d: {  	[timem:s7], [sflag:s22] =	dma.local [hbm:s5], s20  }
0x9e: {  	_ =	swait.ge [sflag:s22], s20  }
0x9f: {  	s4 =	ssub.s32 $0x0, s20;
	[sflag:s22] =	ssyncset.done $0x0  }
0xa0: {  	[sflag:s22] =	ssyncadd.s32 s4;
	_ =	sdelay $0x1  }
0xa1: {  	s23 =	simm.s32 $0x1B8B  }
0xa2: {  	_ =	swait.ge [sflag:s23], $0x1  }
0xa3: {  	[sflag:s23] =	ssyncset.done $0x0  }
0xa4: {  	s25 =	simm.s32 $0x1B8E;
	s24 =	sld [smem:$0x3FFE];
	[sflag:s23] =	ssyncadd.s32 $0xFFFFFFFF  }
0xa5: {  	s26 =	simm.s32 $execute0_lowered;
	[smem:$0x3FD2] =	sst s25  }
0xa6: {  	s5 =	sshll.u32 s26, $0x1;
	_ =	strace $0x80000046;
	[dreg:$0x1] =	wrdreg $0xFFFFFFFF  }
0xa7: {  	s28 =	simm.s32 $_size_execute0_lowered;
	s3 =	sadd.s32 s3, s5;
	[dreg:$0x0] =	wrdreg $0x0  }
0xa8: {  	s5 =	sshll.u32 s28, $0x1;
	[dreg:$0x2] =	wrdreg s3  }
0xa9: {  	[dreg:$0x3] =	wrdreg s5  }
0xaa: {  	[dreg:$0x4] =	wrdreg $0xC0  }
0xab: {  	_ =	task [dreg:s7], $0x5FFFF  }
0xac: {  	[dreg:$0x1] =	wrdreg $0xFFFFFFFF  }
0xad: {  	[dreg:$0x0] =	wrdreg $0x60  }
0xae: {  	[dreg:$0x2] =	wrdreg s24  }
0xaf: {  	[dreg:$0x3] =	wrdreg s2  }
0xb0: {  	[dreg:$0x4] =	wrdreg $0x9  }
0xb1: {  	_ =	task.clear_ibuf [dreg:s7], $0x5FFFF;
	_ =	strace $0x90000046  }
0xb2: {  	s29 =	simm.s32 $0x9;
	_ =	strace $0x80000048  }
0xb3: {  	_ =	swait.ge [sflag:s29], $0x1  }
0xb4: {  	[sflag:s29] =	ssyncadd.s32 $0xFFFFFFFF  }
0xb5: {  	_ =	strace $0x90000048  }
0xb6: {  	_ =	sfence  }
0xb7: {  	s30 =	sld [smem:$0x0];
	_ =	sdelay $0x2  }
0xb8: {  	s31 =	sshll.u32 s1, $0xD;
	s1 =	sshrl.u32 s1, $0x2  }
0xb9: {  	s3 =	sand.u32 $0x4000, s31;
	s1 =	sadd.s32 s1, s30  }
0xba: {  	s0 =	sor.u32 s3, s0;
	s1 =	sshll.u32 s1, $0x11  }
0xbb: {  	s0 =	sor.u32 s1, s0  }
0xbc: {  	s0 =	sadd.s32 $0x8F2B, s0  }
0xbd: {  	[sflag:s0] =	ssyncadd.remote.s32 $0x1  }
0xbe: {  	_ =	sfence.sel $0xFFFF  }
0xbf: {  	[dreg:$0x0] =	wrdreg $0xFFFFFFFF;
	(pc) =	sbr.abs _section_cstart, $3  }
0xc0: {  	[dreg:$0x1] =	wrdreg $0xFFFFFFFF  }
0xc1: {  	_ =	task.clear_ibuf [dreg:s7], $0x2FFFF;
	_ =	strace $0x9FFFFFFF  }
0xc2: {  	(tm) =	ssettm $0x7FFFFFFF  }
0xc3: {  	_ =	shalt  }
tec
execute0_lowered:
.L_overlay_start_1:
0x0: {  	(tag) =	ssettag $0x1  }
0x1: {  	s5 =	rddreg [dreg:$0x0]  }
0x2: {  	s2 =	rddreg [dreg:$0x1]  }
0x3: {  	s0 =	rddreg [dreg:$0x2]  }
0x4: {  	s4 =	srdreg.scid;
	s1 =	stileid.u32  }
0x5: {  	s3 =	simm.s32 $0x0;
	s10 =	simm.s32 $0x1000;
	s11 =	simm.s32 $0x5  }
0x6: {  	s12 =	simm.s32 $0x6400;
	s13 =	simm.s32 $0x9600;
	s14 =	simm.s32 $0xB600  }
0x7: {  	s15 =	simm.s32 $0x1;
	s16 =	simm.s32 $0xD600;
	s17 =	simm.s32 $0x2  }
0x8: {  	s18 =	simm.s32 $0xF800;
	s19 =	simm.s32 $0x3;
	s20 =	simm.s32 $0x4  }
0x9: {  	s21 =	simm.s32 $0x0;
	s4 =	sand.u32 $0x1, s4;
	s6 =	sshll.u32 s1, $0x1  }
.Ltmp0:
0xa: {  	[smem:$0x7FF] =	sst s3;
	s7 =	sor.u32 s4, s6;
	(pc) =	sbr.rel .LBB2_1-.Ltmp0, $4  }
0xb: {  	v0 =	vlaneseq.u32;
	_ =	strace $0x80000047;
	s8 =	ssub.s32 $0x2, s4;
	s4 =	sadd.s32 $0x19E00, s5  }
0xc: {  	v0 =	vmul.u32 $0x88, v0;
	s6 =	sshll.u32 s7, $0x4;
	s9 =	sshrl.u32 s8, $0x1;
	s7 =	sshll.u32 s7, $0xA  }
0xd: {  	s6 =	sadd.s32 s6, s5;
	s5 =	sadd.s32 $0x600, s5;
	s8 =	ssub.s32 s8, s9  }
0xe: {  	v1 =	vadd.s32 $0x880, v0;
	v2 =	vadd.s32 $0x1100, v0;
	v3 =	vadd.s32 $0x1980, v0;
	s9 =	simm.s32 $0x80;
	s6 =	sadd.s32 $0xE00, s6;
	s8 =	smax.u32 s8, $0x1  }
.LBB2_12:
0xf: {  	s21 =	sadd.s32 $0x1, s21  }
0x10: {  	_ =	swait.ge [sflag:s19], $0x2000;
	p0 =	sne.s32 s21, s8  }
.Ltmp1:
0x11: {  	[sflag:s19] =	ssyncset.done $0x0;
	(pc) =	sbr.rel @!p0 .LBB2_13-.Ltmp1, $4  }
0x12: {  	[sflag:s19] =	ssyncadd.s32 $0xFFFFE000  }
0x13: {  	_ =	swait.ge [sflag:s20], $0x2000  }
0x14: {  	[sflag:s20] =	ssyncset.done $0x0  }
0x15: {  	[sflag:s20] =	ssyncadd.s32 $0xFFFFE000  }
.LBB2_1:
0x16: {  	[tilespmem:s3], [sflag:$0x5] =	stream.strided.gather [hbm4b:s6+s9], $0x6400, s10, s9, $0x38;
	[tilespmem:$0x11A00] =	vst v63  }
0x17: {  	_ =	swait.ge [sflag:s11], $0x6400  }
0x18: {  	[sflag:s11] =	ssyncset.done $0x0  }
0x19: {  	[sflag:s11] =	ssyncadd.s32 $0xFFFF9C00  }
0x1a: {  	[tilespmem:s12], [sflag:$0x5] =	stream.linear.gather [hbm4b:s5+s3], $0x3200, $0x38;
	[tilespmem:$0x11A00] =	vst v63  }
0x1b: {  	_ =	swait.ge [sflag:s11], $0x3200  }
0x1c: {  	[sflag:s11] =	ssyncset.done $0x0  }
0x1d: {  	[sflag:s11] =	ssyncadd.s32 $0xFFFFCE00  }
0x1e: {  	[tilespmem:s13], [sflag:$0x1] =	stream.indirect.gather [hbm4b:s4+s9], $0x40, s3, s9, $0xb8;
	[tilespmem:$0x11A00] =	vst v63  }
0x1f: {  	s22 =	simm.s32 $0x0  }
0x20: {  	[tilespmem:s14], [sflag:$0x2] =	stream.indirect.gather [hbm4b:s4+s9], $0x40, s9, s9, $0xb8;
	[tilespmem:$0x11A00] =	vst v63  }
.LBB2_2:
0x21: {  	_ =	swait.ge [sflag:s15], $0x2000  }
0x22: {  	p0 =	seq.s32 s22, $0x0;
	[sflag:s15] =	ssyncset.done $0x0  }
0x23: {  	s23 =	simm.s32 @!p0 $0x3;
	[sflag:s15] =	ssyncadd.s32 $0xFFFFE000  }
0x24: {  	_ =	swait.ge @!p0 [sflag:s23], $0x2000  }
0x25: {  	s24 =	sshll.u32 s22, $0x7;
	[sflag:s23] =	ssyncset.done @!p0 $0x0  }
0x26: {  	s28 =	sand.u32 $0x3FFFFF80, s24;
	[sflag:s23] =	ssyncadd.s32 @!p0 $0xFFFFE000  }
0x27: {  	s25 =	simm.s32 $0x0;
	s24 =	simm.s32 $0x9680;
	v4 =	vld [tilespmem:s28+$0x6400]  }
0x28: {  	v5 =	vmov s25;
	v7 =	vld [tilespmem:s24+$0xFFFFFF80]  }
0x29: {  	v8 =	vand.u32 $0x7C, v5  }
0x2a: {  	v9 =	vadd.s32 v0, v8;
	_ =	sdelay $0x2  }
0x2b: {  	v5 =	vld [tilespmem:s28+$0x6410];
	v10 =	vadd.f32 v7, v4  }
0x2c: {  	v6 =	vld [tilespmem:s28+$0x6420]  }
0x2d: {  	v7 =	vld [tilespmem:s28+$0x6430];
	[tilespmem:v9+s16+$0x0] =	vst.idx.msk $0xffff, v10  }
0x2e: {  	v9 =	vld [tilespmem:s24+$0xFFFFFF90];
	_ =	sdelay $0x1  }
0x2f: {  	v10 =	vadd.s32 v1, v8;
	_ =	sdelay $0x2  }
0x30: {  	v9 =	vadd.f32 v9, v5;
	_ =	sdelay $0x1  }
0x31: {  	[tilespmem:v10+s16+$0x0] =	vst.idx.msk $0xffff, v9  }
0x32: {  	v9 =	vld [tilespmem:s24+$0xFFFFFFA0];
	_ =	sdelay $0x1  }
0x33: {  	v10 =	vadd.s32 v2, v8;
	_ =	sdelay $0x2  }
0x34: {  	v9 =	vadd.f32 v9, v6;
	_ =	sdelay $0x1  }
0x35: {  	[tilespmem:v10+s16+$0x0] =	vst.idx.msk $0xffff, v9  }
0x36: {  	v9 =	vld [tilespmem:s24+$0xFFFFFFB0];
	_ =	sdelay $0x1  }
0x37: {  	v8 =	vadd.s32 v3, v8;
	_ =	sdelay $0x2  }
0x38: {  	v9 =	vadd.f32 v9, v7;
	_ =	sdelay $0x1  }
0x39: {  	s29 =	simm.s32 $0x1;
	[tilespmem:v8+s16+$0x0] =	vst.idx.msk $0xffff, v9  }
0x3a: {  	v8 =	vmov s29;
	v9 =	vld [tilespmem:s24+$0xFFFFFFC0]  }
0x3b: {  	v8 =	vand.u32 $0x7D, v8  }
0x3c: {  	v10 =	vadd.s32 v0, v8;
	_ =	sdelay $0x2  }
0x3d: {  	v9 =	vadd.f32 v9, v4;
	_ =	sdelay $0x1  }
0x3e: {  	[tilespmem:v10+s16+$0x0] =	vst.idx.msk $0xffff, v9  }
0x3f: {  	v9 =	vld [tilespmem:s24+$0xFFFFFFD0];
	_ =	sdelay $0x1  }
0x40: {  	v10 =	vadd.s32 v1, v8;
	_ =	sdelay $0x2  }
0x41: {  	v9 =	vadd.f32 v9, v5;
	_ =	sdelay $0x1  }
0x42: {  	[tilespmem:v10+s16+$0x0] =	vst.idx.msk $0xffff, v9  }
0x43: {  	v9 =	vld [tilespmem:s24+$0xFFFFFFE0];
	_ =	sdelay $0x1  }
0x44: {  	v10 =	vadd.s32 v2, v8;
	_ =	sdelay $0x2  }
0x45: {  	v9 =	vadd.f32 v9, v6;
	_ =	sdelay $0x1  }
0x46: {  	[tilespmem:v10+s16+$0x0] =	vst.idx.msk $0xffff, v9  }
0x47: {  	v9 =	vld [tilespmem:s24+$0xFFFFFFF0];
	_ =	sdelay $0x1  }
0x48: {  	v8 =	vadd.s32 v3, v8;
	_ =	sdelay $0x2  }
0x49: {  	v9 =	vadd.f32 v9, v7;
	_ =	sdelay $0x1  }
0x4a: {  	s30 =	simm.s32 $0x2;
	[tilespmem:v8+s16+$0x0] =	vst.idx.msk $0xffff, v9  }
0x4b: {  	v8 =	vmov s30;
	v9 =	vld [tilespmem:s24+$0x0]  }
0x4c: {  	v8 =	vand.u32 $0x7E, v8  }
0x4d: {  	v10 =	vadd.s32 v0, v8;
	_ =	sdelay $0x2  }
0x4e: {  	v9 =	vadd.f32 v9, v4;
	_ =	sdelay $0x1  }
0x4f: {  	[tilespmem:v10+s16+$0x0] =	vst.idx.msk $0xffff, v9  }
0x50: {  	v9 =	vld [tilespmem:s24+$0x10];
	_ =	sdelay $0x1  }
0x51: {  	v10 =	vadd.s32 v1, v8;
	_ =	sdelay $0x2  }
0x52: {  	v9 =	vadd.f32 v9, v5;
	_ =	sdelay $0x1  }
0x53: {  	[tilespmem:v10+s16+$0x0] =	vst.idx.msk $0xffff, v9  }
0x54: {  	v9 =	vld [tilespmem:s24+$0x20];
	_ =	sdelay $0x1  }
0x55: {  	v10 =	vadd.s32 v2, v8;
	_ =	sdelay $0x2  }
0x56: {  	v9 =	vadd.f32 v9, v6;
	_ =	sdelay $0x1  }
0x57: {  	[tilespmem:v10+s16+$0x0] =	vst.idx.msk $0xffff, v9  }
0x58: {  	v9 =	vld [tilespmem:s24+$0x30];
	_ =	sdelay $0x1  }
0x59: {  	v8 =	vadd.s32 v3, v8;
	_ =	sdelay $0x2  }
0x5a: {  	v9 =	vadd.f32 v9, v7;
	_ =	sdelay $0x1  }
0x5b: {  	s31 =	simm.s32 $0x3;
	[tilespmem:v8+s16+$0x0] =	vst.idx.msk $0xffff, v9  }
0x5c: {  	v8 =	vmov s31;
	v9 =	vld [tilespmem:s24+$0x40]  }
0x5d: {  	v8 =	vand.u32 $0x7F, v8  }
0x5e: {  	v10 =	vadd.s32 v0, v8;
	_ =	sdelay $0x2  }
0x5f: {  	v9 =	vadd.f32 v9, v4;
	_ =	sdelay $0x1  }
0x60: {  	[tilespmem:v10+s16+$0x0] =	vst.idx.msk $0xffff, v9  }
0x61: {  	v9 =	vld [tilespmem:s24+$0x50];
	_ =	sdelay $0x1  }
0x62: {  	v10 =	vadd.s32 v1, v8;
	_ =	sdelay $0x2  }
0x63: {  	v9 =	vadd.f32 v9, v5;
	_ =	sdelay $0x1  }
0x64: {  	[tilespmem:v10+s16+$0x0] =	vst.idx.msk $0xffff, v9  }
0x65: {  	v9 =	vld [tilespmem:s24+$0x60];
	_ =	sdelay $0x1  }
0x66: {  	v10 =	vadd.s32 v2, v8;
	_ =	sdelay $0x2  }
0x67: {  	v9 =	vadd.f32 v9, v6;
	_ =	sdelay $0x1  }
0x68: {  	[tilespmem:v10+s16+$0x0] =	vst.idx.msk $0xffff, v9  }
0x69: {  	v9 =	vld [tilespmem:s24+$0x70];
	_ =	sdelay $0x1  }
0x6a: {  	v8 =	vadd.s32 v3, v8;
	_ =	sdelay $0x2  }
0x6b: {  	s25 =	simm.s32 $0x4;
	s23 =	sshll.u32 s22, $0x1;
	v9 =	vadd.f32 v9, v7  }
.LBB2_3:
0x6c: {  	p1 =	slt.u32 s25, $0x7C  }
0x6d: {  	s24 =	sadd.s32 $0x100, s24;
	s26 =	smov.u32 s25;
	s25 =	sadd.s32 $0x4, s25;
	[tilespmem:v8+s16+$0x0] =	vst.idx.msk $0xffff, v9  }
0x6e: {  	v8 =	vmov s26;
	v9 =	vld [tilespmem:s24+$0xFFFFFF80]  }
0x6f: {  	v8 =	vand.u32 $0x7C, v8  }
0x70: {  	v10 =	vadd.s32 v0, v8;
	_ =	sdelay $0x2  }
0x71: {  	v9 =	vadd.f32 v9, v4;
	_ =	sdelay $0x1  }
0x72: {  	[tilespmem:v10+s16+$0x0] =	vst.idx.msk $0xffff, v9  }
0x73: {  	v9 =	vld [tilespmem:s24+$0xFFFFFF90];
	_ =	sdelay $0x1  }
0x74: {  	v10 =	vadd.s32 v1, v8;
	_ =	sdelay $0x2  }
0x75: {  	v9 =	vadd.f32 v9, v5;
	_ =	sdelay $0x1  }
0x76: {  	[tilespmem:v10+s16+$0x0] =	vst.idx.msk $0xffff, v9  }
0x77: {  	v9 =	vld [tilespmem:s24+$0xFFFFFFA0];
	_ =	sdelay $0x1  }
0x78: {  	v10 =	vadd.s32 v2, v8;
	_ =	sdelay $0x2  }
0x79: {  	v9 =	vadd.f32 v9, v6;
	_ =	sdelay $0x1  }
0x7a: {  	[tilespmem:v10+s16+$0x0] =	vst.idx.msk $0xffff, v9  }
0x7b: {  	v9 =	vld [tilespmem:s24+$0xFFFFFFB0];
	_ =	sdelay $0x1  }
0x7c: {  	v8 =	vadd.s32 v3, v8;
	_ =	sdelay $0x2  }
0x7d: {  	v9 =	vadd.f32 v9, v7;
	_ =	sdelay $0x1  }
0x7e: {  	s28 =	sadd.s32 $0x1, s26;
	[tilespmem:v8+s16+$0x0] =	vst.idx.msk $0xffff, v9  }
0x7f: {  	v8 =	vmov s28;
	v9 =	vld [tilespmem:s24+$0xFFFFFFC0]  }
0x80: {  	v8 =	vand.u32 $0x7D, v8  }
0x81: {  	v10 =	vadd.s32 v0, v8;
	_ =	sdelay $0x2  }
0x82: {  	v9 =	vadd.f32 v9, v4;
	_ =	sdelay $0x1  }
0x83: {  	[tilespmem:v10+s16+$0x0] =	vst.idx.msk $0xffff, v9  }
0x84: {  	v9 =	vld [tilespmem:s24+$0xFFFFFFD0];
	_ =	sdelay $0x1  }
0x85: {  	v10 =	vadd.s32 v1, v8;
	_ =	sdelay $0x2  }
0x86: {  	v9 =	vadd.f32 v9, v5;
	_ =	sdelay $0x1  }
0x87: {  	[tilespmem:v10+s16+$0x0] =	vst.idx.msk $0xffff, v9  }
0x88: {  	v9 =	vld [tilespmem:s24+$0xFFFFFFE0];
	_ =	sdelay $0x1  }
0x89: {  	v10 =	vadd.s32 v2, v8;
	_ =	sdelay $0x2  }
0x8a: {  	v9 =	vadd.f32 v9, v6;
	_ =	sdelay $0x1  }
0x8b: {  	[tilespmem:v10+s16+$0x0] =	vst.idx.msk $0xffff, v9  }
0x8c: {  	v9 =	vld [tilespmem:s24+$0xFFFFFFF0];
	_ =	sdelay $0x1  }
0x8d: {  	v8 =	vadd.s32 v3, v8;
	_ =	sdelay $0x2  }
0x8e: {  	v9 =	vadd.f32 v9, v7;
	_ =	sdelay $0x1  }
0x8f: {  	s28 =	sadd.s32 $0x2, s26;
	[tilespmem:v8+s16+$0x0] =	vst.idx.msk $0xffff, v9  }
0x90: {  	v8 =	vmov s28;
	v9 =	vld [tilespmem:s24+$0x0]  }
0x91: {  	v8 =	vand.u32 $0x7E, v8  }
0x92: {  	v10 =	vadd.s32 v0, v8;
	_ =	sdelay $0x2  }
0x93: {  	v9 =	vadd.f32 v9, v4;
	_ =	sdelay $0x1  }
0x94: {  	[tilespmem:v10+s16+$0x0] =	vst.idx.msk $0xffff, v9  }
0x95: {  	v9 =	vld [tilespmem:s24+$0x10];
	_ =	sdelay $0x1  }
0x96: {  	v10 =	vadd.s32 v1, v8;
	_ =	sdelay $0x2  }
0x97: {  	v9 =	vadd.f32 v9, v5;
	_ =	sdelay $0x1  }
0x98: {  	[tilespmem:v10+s16+$0x0] =	vst.idx.msk $0xffff, v9  }
0x99: {  	v9 =	vld [tilespmem:s24+$0x20];
	_ =	sdelay $0x1  }
0x9a: {  	v10 =	vadd.s32 v2, v8;
	_ =	sdelay $0x2  }
0x9b: {  	v9 =	vadd.f32 v9, v6;
	_ =	sdelay $0x1  }
0x9c: {  	[tilespmem:v10+s16+$0x0] =	vst.idx.msk $0xffff, v9  }
0x9d: {  	v9 =	vld [tilespmem:s24+$0x30];
	_ =	sdelay $0x1  }
0x9e: {  	v8 =	vadd.s32 v3, v8;
	_ =	sdelay $0x2  }
0x9f: {  	v9 =	vadd.f32 v9, v7;
	_ =	sdelay $0x1  }
0xa0: {  	s26 =	sadd.s32 $0x3, s26;
	[tilespmem:v8+s16+$0x0] =	vst.idx.msk $0xffff, v9  }
0xa1: {  	v8 =	vmov s26;
	v9 =	vld [tilespmem:s24+$0x40]  }
0xa2: {  	v8 =	vand.u32 $0x7F, v8  }
0xa3: {  	v10 =	vadd.s32 v0, v8;
	_ =	sdelay $0x2  }
0xa4: {  	v9 =	vadd.f32 v9, v4;
	_ =	sdelay $0x1  }
0xa5: {  	[tilespmem:v10+s16+$0x0] =	vst.idx.msk $0xffff, v9  }
0xa6: {  	v9 =	vld [tilespmem:s24+$0x50];
	_ =	sdelay $0x1  }
0xa7: {  	v10 =	vadd.s32 v1, v8;
	_ =	sdelay $0x2  }
0xa8: {  	v9 =	vadd.f32 v9, v5;
	_ =	sdelay $0x1  }
0xa9: {  	[tilespmem:v10+s16+$0x0] =	vst.idx.msk $0xffff, v9  }
0xaa: {  	v9 =	vld [tilespmem:s24+$0x60];
	_ =	sdelay $0x1  }
0xab: {  	v10 =	vadd.s32 v2, v8;
	_ =	sdelay $0x2  }
0xac: {  	v9 =	vadd.f32 v9, v6;
	_ =	sdelay $0x1  }
0xad: {  	[tilespmem:v10+s16+$0x0] =	vst.idx.msk $0xffff, v9  }
0xae: {  	v9 =	vld [tilespmem:s24+$0x70]  }
.Ltmp2:
0xaf: {  	(pc) =	sbr.rel @p1 .LBB2_3-.Ltmp2, $2  }
0xb0: {  	v8 =	vadd.s32 v3, v8;
	_ =	sdelay $0x2  }
0xb1: {  	v9 =	vadd.f32 v9, v7  }
0xb2: {  	_ = 	snop  }
0xb3: {  	s24 =	sshll.u32 s22, $0x13  }
0xb4: {  	s24 =	sor.u32 s7, s24  }
0xb5: {  	s24 =	sshrl.u32 s24, $0x3  }
0xb6: {  	s30 =	simm.s32 $0xD600;
	[tilespmem:v8+s16+$0x0] =	vst.idx.msk $0xffff, v9;
	s25 =	sadd.s32 s2, s24  }
0xb7: {  	[hbm4b:s25+s3] =	stream.linear.scatter [tilespmem:s30], [sflag:$0x3], $0x80, $0x38;
	[tilespmem:$0x11A00] =	vst v63  }
0xb8: {  	s31 =	simm.s32 $0xD688;
	s26 =	sadd.s32 $0x10, s25  }
0xb9: {  	[hbm4b:s26+s3] =	stream.linear.scatter [tilespmem:s31], [sflag:$0x3], $0x80, $0x38;
	[tilespmem:$0x11A00] =	vst v63  }
0xba: {  	s28 =	simm.s32 $0xD9B8;
	s30 =	simm.s32 $0xD710;
	s31 =	sadd.s32 $0x20, s25  }
0xbb: {  	[hbm4b:s31+s3] =	stream.linear.scatter [tilespmem:s30], [sflag:$0x3], $0x80, $0x38;
	[tilespmem:$0x11A00] =	vst v63  }
0xbc: {  	s24 =	simm.s32 $0x440;
	s30 =	simm.s32 $0xD798;
	s31 =	sadd.s32 $0x30, s25  }
0xbd: {  	[hbm4b:s31+s3] =	stream.linear.scatter [tilespmem:s30], [sflag:$0x3], $0x80, $0x38;
	[tilespmem:$0x11A00] =	vst v63  }
0xbe: {  	s29 =	sadd.s32 $0x70, s25;
	s30 =	simm.s32 $0xD820;
	s31 =	sadd.s32 $0x40, s25  }
0xbf: {  	[hbm4b:s31+s3] =	stream.linear.scatter [tilespmem:s30], [sflag:$0x3], $0x80, $0x38;
	[tilespmem:$0x11A00] =	vst v63  }
0xc0: {  	s26 =	simm.s32 $0x2200;
	s30 =	simm.s32 $0xD8A8;
	s31 =	sadd.s32 $0x50, s25  }
0xc1: {  	[hbm4b:s31+s3] =	stream.linear.scatter [tilespmem:s30], [sflag:$0x3], $0x80, $0x38;
	[tilespmem:$0x11A00] =	vst v63  }
0xc2: {  	s30 =	simm.s32 $0xD930;
	s31 =	sadd.s32 $0x60, s25;
	s25 =	sadd.s32 $0x1000, s25  }
0xc3: {  	[hbm4b:s31+s3] =	stream.linear.scatter [tilespmem:s30], [sflag:$0x3], $0x80, $0x38;
	[tilespmem:$0x11A00] =	vst v63  }
.LBB2_5:
0xc4: {  	[hbm4b:s29+s3] =	stream.linear.scatter [tilespmem:s28], [sflag:$0x3], $0x80, $0x38;
	[tilespmem:$0x11A00] =	vst v63  }
0xc5: {  	s28 =	smov.u32 s24;
	s24 =	smov.u32 s26  }
0xc6: {  	s30 =	sadd.s32 $0x1100, s26;
	s24 =	sshra.s32 s24, $0x2;
	s29 =	sadd.s32 $0xD600, s28  }
0xc7: {  	[hbm4b:s25+s3] =	stream.linear.scatter [tilespmem:s29], [sflag:$0x3], $0x80, $0x38;
	[tilespmem:$0x11A00] =	vst v63  }
0xc8: {  	p1 =	sne.s32 s26, $0x7700;
	s26 =	sadd.s32 $0xD688, s28;
	s29 =	sadd.s32 $0x10, s25  }
0xc9: {  	[hbm4b:s29+s3] =	stream.linear.scatter [tilespmem:s26], [sflag:$0x3], $0x80, $0x38;
	[tilespmem:$0x11A00] =	vst v63  }
0xca: {  	s26 =	sadd.s32 $0xD710, s28;
	s29 =	sadd.s32 $0x20, s25  }
0xcb: {  	[hbm4b:s29+s3] =	stream.linear.scatter [tilespmem:s26], [sflag:$0x3], $0x80, $0x38;
	[tilespmem:$0x11A00] =	vst v63  }
0xcc: {  	s26 =	sadd.s32 $0xD798, s28;
	s29 =	sadd.s32 $0x30, s25  }
0xcd: {  	[hbm4b:s29+s3] =	stream.linear.scatter [tilespmem:s26], [sflag:$0x3], $0x80, $0x38;
	[tilespmem:$0x11A00] =	vst v63  }
0xce: {  	s26 =	sadd.s32 $0xD820, s28;
	s29 =	sadd.s32 $0x40, s25  }
0xcf: {  	[hbm4b:s29+s3] =	stream.linear.scatter [tilespmem:s26], [sflag:$0x3], $0x80, $0x38;
	[tilespmem:$0x11A00] =	vst v63  }
.Ltmp3:
0xd0: {  	s26 =	sadd.s32 $0xD8A8, s28;
	s29 =	sadd.s32 $0x50, s25;
	(pc) =	sbr.rel @p1 .LBB2_5-.Ltmp3, $4  }
0xd1: {  	[hbm4b:s29+s3] =	stream.linear.scatter [tilespmem:s26], [sflag:$0x3], $0x80, $0x38;
	[tilespmem:$0x11A00] =	vst v63  }
0xd2: {  	s26 =	sadd.s32 $0xD930, s28;
	s29 =	sadd.s32 $0x60, s25;
	s28 =	sadd.s32 $0xD9B8, s28  }
0xd3: {  	[hbm4b:s29+s3] =	stream.linear.scatter [tilespmem:s26], [sflag:$0x3], $0x80, $0x38;
	[tilespmem:$0x11A00] =	vst v63  }
0xd4: {  	s29 =	sadd.s32 $0x70, s25;
	s25 =	sadd.s32 $0x1000, s25;
	s26 =	smov.u32 s30  }
0xd5: {  	[hbm4b:s29+s3] =	stream.linear.scatter [tilespmem:s28], [sflag:$0x3], $0x80, $0x38;
	[tilespmem:$0x11A00] =	vst v63  }
0xd6: {  	s26 =	sadd.s32 $0xD600, s24  }
0xd7: {  	[hbm4b:s25+s3] =	stream.linear.scatter [tilespmem:s26], [sflag:$0x3], $0x80, $0x38;
	[tilespmem:$0x11A00] =	vst v63  }
0xd8: {  	s30 =	sadd.s32 $0xD688, s24;
	s31 =	sadd.s32 $0x10, s25  }
0xd9: {  	[hbm4b:s31+s3] =	stream.linear.scatter [tilespmem:s30], [sflag:$0x3], $0x80, $0x38;
	[tilespmem:$0x11A00] =	vst v63  }
0xda: {  	s29 =	sadd.s32 $0xD710, s24;
	s30 =	sadd.s32 $0x20, s25  }
0xdb: {  	[hbm4b:s30+s3] =	stream.linear.scatter [tilespmem:s29], [sflag:$0x3], $0x80, $0x38;
	[tilespmem:$0x11A00] =	vst v63  }
0xdc: {  	s31 =	sadd.s32 $0xD798, s24;
	s29 =	sadd.s32 $0x30, s25  }
0xdd: {  	[hbm4b:s29+s3] =	stream.linear.scatter [tilespmem:s31], [sflag:$0x3], $0x80, $0x38;
	[tilespmem:$0x11A00] =	vst v63  }
0xde: {  	p1 =	seq.s32 s22, $0x63;
	s30 =	sadd.s32 $0xD820, s24;
	s31 =	sadd.s32 $0x40, s25  }
0xdf: {  	[hbm4b:s31+s3] =	stream.linear.scatter [tilespmem:s30], [sflag:$0x3], $0x80, $0x38;
	[tilespmem:$0x11A00] =	vst v63  }
0xe0: {  	s29 =	sadd.s32 $0xD8A8, s24;
	s30 =	sadd.s32 $0x50, s25;
	s31 =	sadd.s32 $0xD930, s24  }
0xe1: {  	[hbm4b:s30+s3] =	stream.linear.scatter [tilespmem:s29], [sflag:$0x3], $0x80, $0x38;
	[tilespmem:$0x11A00] =	vst v63  }
0xe2: {  	s29 =	sadd.s32 $0x60, s25;
	s30 =	sadd.s32 $0xD9B8, s24;
	s24 =	sshll.u32 @!p1 s22, $0x8  }
0xe3: {  	[hbm4b:s29+s3] =	stream.linear.scatter [tilespmem:s31], [sflag:$0x3], $0x80, $0x38;
	[tilespmem:$0x11A00] =	vst v63  }
0xe4: {  	s24 =	sand.u32 @!p1 $0x3FFFFF00, s24;
	s31 =	sadd.s32 $0x70, s25  }
0xe5: {  	[hbm4b:s31+s3] =	stream.linear.scatter [tilespmem:s30], [sflag:$0x3], $0x80, $0x38;
	[tilespmem:$0x11A00] =	vst v63  }
0xe6: {  	s26 =	simm.s32 @!p1 $0x9600;
	s24 =	sadd.s32 @!p1 $0x100, s24;
	s25 =	simm.s32 @!p1 $0x80  }
0xe7: {  	[tilespmem:s26], [sflag:$0x1] =	stream.indirect.gather @!p1 [hbm4b:s4+s25], $0x40, s24, s25, $0xb8;
	[tilespmem:$0x11A00] =	vst v63  }
0xe8: {  	_ =	swait.ge [sflag:s17], $0x2000  }
0xe9: {  	[sflag:s17] =	ssyncset.done $0x0  }
0xea: {  	s24 =	simm.s32 @!p0 $0x4;
	[sflag:s17] =	ssyncadd.s32 $0xFFFFE000  }
0xeb: {  	s23 =	sor.u32 $0x1, s23;
	_ =	swait.ge @!p0 [sflag:s24], $0x2000  }
0xec: {  	s26 =	sshll.u32 s23, $0x6;
	[sflag:s24] =	ssyncset.done @!p0 $0x0  }
0xed: {  	s25 =	sand.u32 $0x3FFFFFC0, s26;
	[sflag:s24] =	ssyncadd.s32 @!p0 $0xFFFFE000  }
0xee: {  	s28 =	simm.s32 $0x0;
	s24 =	simm.s32 $0xB680;
	v4 =	vld [tilespmem:s25+$0x6400]  }
0xef: {  	v5 =	vmov s28;
	v7 =	vld [tilespmem:s24+$0xFFFFFF80]  }
0xf0: {  	v8 =	vand.u32 $0x7C, v5  }
0xf1: {  	v9 =	vadd.s32 v0, v8;
	_ =	sdelay $0x2  }
0xf2: {  	v5 =	vld [tilespmem:s25+$0x6410];
	v10 =	vadd.f32 v7, v4  }
0xf3: {  	v6 =	vld [tilespmem:s25+$0x6420]  }
0xf4: {  	v7 =	vld [tilespmem:s25+$0x6430];
	[tilespmem:v9+s18+$0x0] =	vst.idx.msk $0xffff, v10  }
0xf5: {  	v9 =	vld [tilespmem:s24+$0xFFFFFF90];
	_ =	sdelay $0x1  }
0xf6: {  	v10 =	vadd.s32 v1, v8;
	_ =	sdelay $0x2  }
0xf7: {  	v9 =	vadd.f32 v9, v5;
	_ =	sdelay $0x1  }
0xf8: {  	[tilespmem:v10+s18+$0x0] =	vst.idx.msk $0xffff, v9  }
0xf9: {  	v9 =	vld [tilespmem:s24+$0xFFFFFFA0];
	_ =	sdelay $0x1  }
0xfa: {  	v10 =	vadd.s32 v2, v8;
	_ =	sdelay $0x2  }
0xfb: {  	v9 =	vadd.f32 v9, v6;
	_ =	sdelay $0x1  }
0xfc: {  	[tilespmem:v10+s18+$0x0] =	vst.idx.msk $0xffff, v9  }
0xfd: {  	v9 =	vld [tilespmem:s24+$0xFFFFFFB0];
	_ =	sdelay $0x1  }
0xfe: {  	v8 =	vadd.s32 v3, v8;
	_ =	sdelay $0x2  }
0xff: {  	v9 =	vadd.f32 v9, v7;
	_ =	sdelay $0x1  }
0x100: {  	s29 =	simm.s32 $0x1;
	[tilespmem:v8+s18+$0x0] =	vst.idx.msk $0xffff, v9  }
0x101: {  	v8 =	vmov s29;
	v9 =	vld [tilespmem:s24+$0xFFFFFFC0]  }
0x102: {  	v8 =	vand.u32 $0x7D, v8  }
0x103: {  	v10 =	vadd.s32 v0, v8;
	_ =	sdelay $0x2  }
0x104: {  	v9 =	vadd.f32 v9, v4;
	_ =	sdelay $0x1  }
0x105: {  	[tilespmem:v10+s18+$0x0] =	vst.idx.msk $0xffff, v9  }
0x106: {  	v9 =	vld [tilespmem:s24+$0xFFFFFFD0];
	_ =	sdelay $0x1  }
0x107: {  	v10 =	vadd.s32 v1, v8;
	_ =	sdelay $0x2  }
0x108: {  	v9 =	vadd.f32 v9, v5;
	_ =	sdelay $0x1  }
0x109: {  	[tilespmem:v10+s18+$0x0] =	vst.idx.msk $0xffff, v9  }
0x10a: {  	v9 =	vld [tilespmem:s24+$0xFFFFFFE0];
	_ =	sdelay $0x1  }
0x10b: {  	v10 =	vadd.s32 v2, v8;
	_ =	sdelay $0x2  }
0x10c: {  	v9 =	vadd.f32 v9, v6;
	_ =	sdelay $0x1  }
0x10d: {  	[tilespmem:v10+s18+$0x0] =	vst.idx.msk $0xffff, v9  }
0x10e: {  	v9 =	vld [tilespmem:s24+$0xFFFFFFF0];
	_ =	sdelay $0x1  }
0x10f: {  	v8 =	vadd.s32 v3, v8;
	_ =	sdelay $0x2  }
0x110: {  	v9 =	vadd.f32 v9, v7;
	_ =	sdelay $0x1  }
0x111: {  	s30 =	simm.s32 $0x2;
	[tilespmem:v8+s18+$0x0] =	vst.idx.msk $0xffff, v9  }
0x112: {  	v8 =	vmov s30;
	v9 =	vld [tilespmem:s24+$0x0]  }
0x113: {  	v8 =	vand.u32 $0x7E, v8  }
0x114: {  	v10 =	vadd.s32 v0, v8;
	_ =	sdelay $0x2  }
0x115: {  	v9 =	vadd.f32 v9, v4;
	_ =	sdelay $0x1  }
0x116: {  	[tilespmem:v10+s18+$0x0] =	vst.idx.msk $0xffff, v9  }
0x117: {  	v9 =	vld [tilespmem:s24+$0x10];
	_ =	sdelay $0x1  }
0x118: {  	v10 =	vadd.s32 v1, v8;
	_ =	sdelay $0x2  }
0x119: {  	v9 =	vadd.f32 v9, v5;
	_ =	sdelay $0x1  }
0x11a: {  	[tilespmem:v10+s18+$0x0] =	vst.idx.msk $0xffff, v9  }
0x11b: {  	v9 =	vld [tilespmem:s24+$0x20];
	_ =	sdelay $0x1  }
0x11c: {  	v10 =	vadd.s32 v2, v8;
	_ =	sdelay $0x2  }
0x11d: {  	v9 =	vadd.f32 v9, v6;
	_ =	sdelay $0x1  }
0x11e: {  	[tilespmem:v10+s18+$0x0] =	vst.idx.msk $0xffff, v9  }
0x11f: {  	v9 =	vld [tilespmem:s24+$0x30];
	_ =	sdelay $0x1  }
0x120: {  	v8 =	vadd.s32 v3, v8;
	_ =	sdelay $0x2  }
0x121: {  	v9 =	vadd.f32 v9, v7;
	_ =	sdelay $0x1  }
0x122: {  	s31 =	simm.s32 $0x3;
	[tilespmem:v8+s18+$0x0] =	vst.idx.msk $0xffff, v9  }
0x123: {  	v8 =	vmov s31;
	v9 =	vld [tilespmem:s24+$0x40]  }
0x124: {  	v8 =	vand.u32 $0x7F, v8  }
0x125: {  	v10 =	vadd.s32 v0, v8;
	_ =	sdelay $0x2  }
0x126: {  	v9 =	vadd.f32 v9, v4;
	_ =	sdelay $0x1  }
0x127: {  	[tilespmem:v10+s18+$0x0] =	vst.idx.msk $0xffff, v9  }
0x128: {  	v9 =	vld [tilespmem:s24+$0x50];
	_ =	sdelay $0x1  }
0x129: {  	v10 =	vadd.s32 v1, v8;
	_ =	sdelay $0x2  }
0x12a: {  	v9 =	vadd.f32 v9, v5;
	_ =	sdelay $0x1  }
0x12b: {  	[tilespmem:v10+s18+$0x0] =	vst.idx.msk $0xffff, v9  }
0x12c: {  	v9 =	vld [tilespmem:s24+$0x60];
	_ =	sdelay $0x1  }
0x12d: {  	v10 =	vadd.s32 v2, v8;
	_ =	sdelay $0x2  }
0x12e: {  	v9 =	vadd.f32 v9, v6;
	_ =	sdelay $0x1  }
0x12f: {  	[tilespmem:v10+s18+$0x0] =	vst.idx.msk $0xffff, v9  }
0x130: {  	v9 =	vld [tilespmem:s24+$0x70];
	_ =	sdelay $0x1  }
0x131: {  	v8 =	vadd.s32 v3, v8;
	_ =	sdelay $0x2  }
0x132: {  	s25 =	simm.s32 $0x4;
	v9 =	vadd.f32 v9, v7  }
.LBB2_7:
0x133: {  	p0 =	slt.u32 s25, $0x7C  }
0x134: {  	s24 =	sadd.s32 $0x100, s24;
	s26 =	smov.u32 s25;
	s25 =	sadd.s32 $0x4, s25;
	[tilespmem:v8+s18+$0x0] =	vst.idx.msk $0xffff, v9  }
0x135: {  	v8 =	vmov s26;
	v9 =	vld [tilespmem:s24+$0xFFFFFF80]  }
0x136: {  	v8 =	vand.u32 $0x7C, v8  }
0x137: {  	v10 =	vadd.s32 v0, v8;
	_ =	sdelay $0x2  }
0x138: {  	v9 =	vadd.f32 v9, v4;
	_ =	sdelay $0x1  }
0x139: {  	[tilespmem:v10+s18+$0x0] =	vst.idx.msk $0xffff, v9  }
0x13a: {  	v9 =	vld [tilespmem:s24+$0xFFFFFF90];
	_ =	sdelay $0x1  }
0x13b: {  	v10 =	vadd.s32 v1, v8;
	_ =	sdelay $0x2  }
0x13c: {  	v9 =	vadd.f32 v9, v5;
	_ =	sdelay $0x1  }
0x13d: {  	[tilespmem:v10+s18+$0x0] =	vst.idx.msk $0xffff, v9  }
0x13e: {  	v9 =	vld [tilespmem:s24+$0xFFFFFFA0];
	_ =	sdelay $0x1  }
0x13f: {  	v10 =	vadd.s32 v2, v8;
	_ =	sdelay $0x2  }
0x140: {  	v9 =	vadd.f32 v9, v6;
	_ =	sdelay $0x1  }
0x141: {  	[tilespmem:v10+s18+$0x0] =	vst.idx.msk $0xffff, v9  }
0x142: {  	v9 =	vld [tilespmem:s24+$0xFFFFFFB0];
	_ =	sdelay $0x1  }
0x143: {  	v8 =	vadd.s32 v3, v8;
	_ =	sdelay $0x2  }
0x144: {  	v9 =	vadd.f32 v9, v7;
	_ =	sdelay $0x1  }
0x145: {  	s28 =	sadd.s32 $0x1, s26;
	[tilespmem:v8+s18+$0x0] =	vst.idx.msk $0xffff, v9  }
0x146: {  	v8 =	vmov s28;
	v9 =	vld [tilespmem:s24+$0xFFFFFFC0]  }
0x147: {  	v8 =	vand.u32 $0x7D, v8  }
0x148: {  	v10 =	vadd.s32 v0, v8;
	_ =	sdelay $0x2  }
0x149: {  	v9 =	vadd.f32 v9, v4;
	_ =	sdelay $0x1  }
0x14a: {  	[tilespmem:v10+s18+$0x0] =	vst.idx.msk $0xffff, v9  }
0x14b: {  	v9 =	vld [tilespmem:s24+$0xFFFFFFD0];
	_ =	sdelay $0x1  }
0x14c: {  	v10 =	vadd.s32 v1, v8;
	_ =	sdelay $0x2  }
0x14d: {  	v9 =	vadd.f32 v9, v5;
	_ =	sdelay $0x1  }
0x14e: {  	[tilespmem:v10+s18+$0x0] =	vst.idx.msk $0xffff, v9  }
0x14f: {  	v9 =	vld [tilespmem:s24+$0xFFFFFFE0];
	_ =	sdelay $0x1  }
0x150: {  	v10 =	vadd.s32 v2, v8;
	_ =	sdelay $0x2  }
0x151: {  	v9 =	vadd.f32 v9, v6;
	_ =	sdelay $0x1  }
0x152: {  	[tilespmem:v10+s18+$0x0] =	vst.idx.msk $0xffff, v9  }
0x153: {  	v9 =	vld [tilespmem:s24+$0xFFFFFFF0];
	_ =	sdelay $0x1  }
0x154: {  	v8 =	vadd.s32 v3, v8;
	_ =	sdelay $0x2  }
0x155: {  	v9 =	vadd.f32 v9, v7;
	_ =	sdelay $0x1  }
0x156: {  	s28 =	sadd.s32 $0x2, s26;
	[tilespmem:v8+s18+$0x0] =	vst.idx.msk $0xffff, v9  }
0x157: {  	v8 =	vmov s28;
	v9 =	vld [tilespmem:s24+$0x0]  }
0x158: {  	v8 =	vand.u32 $0x7E, v8  }
0x159: {  	v10 =	vadd.s32 v0, v8;
	_ =	sdelay $0x2  }
0x15a: {  	v9 =	vadd.f32 v9, v4;
	_ =	sdelay $0x1  }
0x15b: {  	[tilespmem:v10+s18+$0x0] =	vst.idx.msk $0xffff, v9  }
0x15c: {  	v9 =	vld [tilespmem:s24+$0x10];
	_ =	sdelay $0x1  }
0x15d: {  	v10 =	vadd.s32 v1, v8;
	_ =	sdelay $0x2  }
0x15e: {  	v9 =	vadd.f32 v9, v5;
	_ =	sdelay $0x1  }
0x15f: {  	[tilespmem:v10+s18+$0x0] =	vst.idx.msk $0xffff, v9  }
0x160: {  	v9 =	vld [tilespmem:s24+$0x20];
	_ =	sdelay $0x1  }
0x161: {  	v10 =	vadd.s32 v2, v8;
	_ =	sdelay $0x2  }
0x162: {  	v9 =	vadd.f32 v9, v6;
	_ =	sdelay $0x1  }
0x163: {  	[tilespmem:v10+s18+$0x0] =	vst.idx.msk $0xffff, v9  }
0x164: {  	v9 =	vld [tilespmem:s24+$0x30];
	_ =	sdelay $0x1  }
0x165: {  	v8 =	vadd.s32 v3, v8;
	_ =	sdelay $0x2  }
0x166: {  	v9 =	vadd.f32 v9, v7;
	_ =	sdelay $0x1  }
0x167: {  	s26 =	sadd.s32 $0x3, s26;
	[tilespmem:v8+s18+$0x0] =	vst.idx.msk $0xffff, v9  }
0x168: {  	v8 =	vmov s26;
	v9 =	vld [tilespmem:s24+$0x40]  }
0x169: {  	v8 =	vand.u32 $0x7F, v8  }
0x16a: {  	v10 =	vadd.s32 v0, v8;
	_ =	sdelay $0x2  }
0x16b: {  	v9 =	vadd.f32 v9, v4;
	_ =	sdelay $0x1  }
0x16c: {  	[tilespmem:v10+s18+$0x0] =	vst.idx.msk $0xffff, v9  }
0x16d: {  	v9 =	vld [tilespmem:s24+$0x50];
	_ =	sdelay $0x1  }
0x16e: {  	v10 =	vadd.s32 v1, v8;
	_ =	sdelay $0x2  }
0x16f: {  	v9 =	vadd.f32 v9, v5;
	_ =	sdelay $0x1  }
0x170: {  	[tilespmem:v10+s18+$0x0] =	vst.idx.msk $0xffff, v9  }
0x171: {  	v9 =	vld [tilespmem:s24+$0x60];
	_ =	sdelay $0x1  }
0x172: {  	v10 =	vadd.s32 v2, v8;
	_ =	sdelay $0x2  }
0x173: {  	v9 =	vadd.f32 v9, v6;
	_ =	sdelay $0x1  }
0x174: {  	[tilespmem:v10+s18+$0x0] =	vst.idx.msk $0xffff, v9  }
0x175: {  	v9 =	vld [tilespmem:s24+$0x70]  }
.Ltmp4:
0x176: {  	(pc) =	sbr.rel @p0 .LBB2_7-.Ltmp4, $2  }
0x177: {  	v8 =	vadd.s32 v3, v8;
	_ =	sdelay $0x2  }
0x178: {  	v9 =	vadd.f32 v9, v7  }
0x179: {  	_ = 	snop  }
0x17a: {  	s23 =	sshll.u32 s23, $0x12  }
0x17b: {  	s23 =	sor.u32 s7, s23  }
0x17c: {  	s23 =	sshrl.u32 s23, $0x3  }
0x17d: {  	s26 =	simm.s32 $0xF800;
	[tilespmem:v8+s18+$0x0] =	vst.idx.msk $0xffff, v9;
	s24 =	sadd.s32 s2, s23  }
0x17e: {  	[hbm4b:s24+s3] =	stream.linear.scatter [tilespmem:s26], [sflag:$0x4], $0x80, $0x38;
	[tilespmem:$0x11A00] =	vst v63  }
0x17f: {  	s29 =	simm.s32 $0xF888;
	s25 =	sadd.s32 $0x10, s24  }
0x180: {  	[hbm4b:s25+s3] =	stream.linear.scatter [tilespmem:s29], [sflag:$0x4], $0x80, $0x38;
	[tilespmem:$0x11A00] =	vst v63  }
0x181: {  	s30 =	simm.s32 $0xF910;
	s23 =	simm.s32 $0x440;
	s31 =	sadd.s32 $0x20, s24  }
0x182: {  	[hbm4b:s31+s3] =	stream.linear.scatter [tilespmem:s30], [sflag:$0x4], $0x80, $0x38;
	[tilespmem:$0x11A00] =	vst v63  }
0x183: {  	s26 =	simm.s32 $0xF998;
	s28 =	sadd.s32 $0x70, s24;
	s29 =	sadd.s32 $0x30, s24  }
0x184: {  	[hbm4b:s29+s3] =	stream.linear.scatter [tilespmem:s26], [sflag:$0x4], $0x80, $0x38;
	[tilespmem:$0x11A00] =	vst v63  }
0x185: {  	s25 =	simm.s32 $0x2200;
	s30 =	simm.s32 $0xFA20;
	s31 =	sadd.s32 $0x40, s24  }
0x186: {  	[hbm4b:s31+s3] =	stream.linear.scatter [tilespmem:s30], [sflag:$0x4], $0x80, $0x38;
	[tilespmem:$0x11A00] =	vst v63  }
0x187: {  	s26 =	simm.s32 $0xFAA8;
	s29 =	sadd.s32 $0x50, s24;
	s30 =	simm.s32 $0xFB30  }
0x188: {  	[hbm4b:s29+s3] =	stream.linear.scatter [tilespmem:s26], [sflag:$0x4], $0x80, $0x38;
	[tilespmem:$0x11A00] =	vst v63  }
0x189: {  	s31 =	sadd.s32 $0x60, s24;
	s24 =	sadd.s32 $0x1000, s24;
	s26 =	simm.s32 $0xFBB8  }
0x18a: {  	[hbm4b:s31+s3] =	stream.linear.scatter [tilespmem:s30], [sflag:$0x4], $0x80, $0x38;
	[tilespmem:$0x11A00] =	vst v63  }
.LBB2_9:
0x18b: {  	[hbm4b:s28+s3] =	stream.linear.scatter [tilespmem:s26], [sflag:$0x4], $0x80, $0x38;
	[tilespmem:$0x11A00] =	vst v63  }
0x18c: {  	s26 =	smov.u32 s23;
	s23 =	smov.u32 s25  }
0x18d: {  	s29 =	sadd.s32 $0x1100, s25;
	s23 =	sshra.s32 s23, $0x2;
	s28 =	sadd.s32 $0xF800, s26  }
0x18e: {  	[hbm4b:s24+s3] =	stream.linear.scatter [tilespmem:s28], [sflag:$0x4], $0x80, $0x38;
	[tilespmem:$0x11A00] =	vst v63  }
0x18f: {  	p0 =	sne.s32 s25, $0x7700;
	s25 =	sadd.s32 $0xF888, s26;
	s28 =	sadd.s32 $0x10, s24  }
0x190: {  	[hbm4b:s28+s3] =	stream.linear.scatter [tilespmem:s25], [sflag:$0x4], $0x80, $0x38;
	[tilespmem:$0x11A00] =	vst v63  }
0x191: {  	s25 =	sadd.s32 $0xF910, s26;
	s28 =	sadd.s32 $0x20, s24  }
0x192: {  	[hbm4b:s28+s3] =	stream.linear.scatter [tilespmem:s25], [sflag:$0x4], $0x80, $0x38;
	[tilespmem:$0x11A00] =	vst v63  }
0x193: {  	s25 =	sadd.s32 $0xF998, s26;
	s28 =	sadd.s32 $0x30, s24  }
0x194: {  	[hbm4b:s28+s3] =	stream.linear.scatter [tilespmem:s25], [sflag:$0x4], $0x80, $0x38;
	[tilespmem:$0x11A00] =	vst v63  }
0x195: {  	s25 =	sadd.s32 $0xFA20, s26;
	s28 =	sadd.s32 $0x40, s24  }
0x196: {  	[hbm4b:s28+s3] =	stream.linear.scatter [tilespmem:s25], [sflag:$0x4], $0x80, $0x38;
	[tilespmem:$0x11A00] =	vst v63  }
.Ltmp5:
0x197: {  	s25 =	sadd.s32 $0xFAA8, s26;
	s28 =	sadd.s32 $0x50, s24;
	(pc) =	sbr.rel @p0 .LBB2_9-.Ltmp5, $4  }
0x198: {  	[hbm4b:s28+s3] =	stream.linear.scatter [tilespmem:s25], [sflag:$0x4], $0x80, $0x38;
	[tilespmem:$0x11A00] =	vst v63  }
0x199: {  	s25 =	sadd.s32 $0xFB30, s26;
	s28 =	sadd.s32 $0x60, s24;
	s26 =	sadd.s32 $0xFBB8, s26  }
0x19a: {  	[hbm4b:s28+s3] =	stream.linear.scatter [tilespmem:s25], [sflag:$0x4], $0x80, $0x38;
	[tilespmem:$0x11A00] =	vst v63  }
0x19b: {  	s28 =	sadd.s32 $0x70, s24;
	s24 =	sadd.s32 $0x1000, s24;
	s25 =	smov.u32 s29  }
0x19c: {  	[hbm4b:s28+s3] =	stream.linear.scatter [tilespmem:s26], [sflag:$0x4], $0x80, $0x38;
	[tilespmem:$0x11A00] =	vst v63  }
0x19d: {  	s25 =	sadd.s32 $0xF800, s23  }
0x19e: {  	[hbm4b:s24+s3] =	stream.linear.scatter [tilespmem:s25], [sflag:$0x4], $0x80, $0x38;
	[tilespmem:$0x11A00] =	vst v63  }
0x19f: {  	s30 =	sadd.s32 $0xF888, s23;
	s31 =	sadd.s32 $0x10, s24  }
0x1a0: {  	[hbm4b:s31+s3] =	stream.linear.scatter [tilespmem:s30], [sflag:$0x4], $0x80, $0x38;
	[tilespmem:$0x11A00] =	vst v63  }
0x1a1: {  	s28 =	sadd.s32 $0xF910, s23;
	s29 =	sadd.s32 $0x20, s24  }
0x1a2: {  	[hbm4b:s29+s3] =	stream.linear.scatter [tilespmem:s28], [sflag:$0x4], $0x80, $0x38;
	[tilespmem:$0x11A00] =	vst v63  }
0x1a3: {  	s30 =	sadd.s32 $0xF998, s23;
	s31 =	sadd.s32 $0x30, s24  }
0x1a4: {  	[hbm4b:s31+s3] =	stream.linear.scatter [tilespmem:s30], [sflag:$0x4], $0x80, $0x38;
	[tilespmem:$0x11A00] =	vst v63  }
0x1a5: {  	s28 =	sadd.s32 $0xFA20, s23;
	s29 =	sadd.s32 $0x40, s24  }
0x1a6: {  	[hbm4b:s29+s3] =	stream.linear.scatter [tilespmem:s28], [sflag:$0x4], $0x80, $0x38;
	[tilespmem:$0x11A00] =	vst v63  }
0x1a7: {  	s30 =	sadd.s32 $0xFAA8, s23;
	s31 =	sadd.s32 $0x50, s24  }
0x1a8: {  	[hbm4b:s31+s3] =	stream.linear.scatter [tilespmem:s30], [sflag:$0x4], $0x80, $0x38;
	[tilespmem:$0x11A00] =	vst v63  }
.Ltmp6:
0x1a9: {  	_ = 	snop;
	(pc) =	sbr.rel @p1 .LBB2_12-.Ltmp6, $4  }
0x1aa: {  	s28 =	sadd.s32 $0xFB30, s23;
	s29 =	sadd.s32 $0x60, s24  }
0x1ab: {  	[hbm4b:s29+s3] =	stream.linear.scatter [tilespmem:s28], [sflag:$0x4], $0x80, $0x38;
	[tilespmem:$0x11A00] =	vst v63  }
0x1ac: {  	s30 =	sadd.s32 $0xFBB8, s23;
	s31 =	sadd.s32 $0x70, s24  }
0x1ad: {  	[hbm4b:s31+s3] =	stream.linear.scatter [tilespmem:s30], [sflag:$0x4], $0x80, $0x38;
	[tilespmem:$0x11A00] =	vst v63  }
.Ltmp7:
0x1ae: {  	(pc) =	sbr.rel .LBB2_2-.Ltmp7, $4  }
0x1af: {  	s23 =	sshll.u32 s22, $0x8  }
0x1b0: {  	s23 =	sand.u32 $0x3FFFFF00, s23  }
0x1b1: {  	s22 =	sadd.s32 $0x1, s22;
	s23 =	sadd.s32 $0x180, s23  }
0x1b2: {  	[tilespmem:s14], [sflag:$0x2] =	stream.indirect.gather [hbm4b:s4+s9], $0x40, s23, s9, $0xb8;
	[tilespmem:$0x11A00] =	vst v63  }
.LBB2_13:
0x1b3: {  	_ =	sfence.sel $0x180000  }
0x1b4: {  	[bflag:$0x0] =	sbarrier.arrive $0xFFFF  }
0x1b5: {  	p0 =	sne.s32 s1, $0x0;
	_ =	strace $0x90000047  }
0x1b6: {  	s0 =	sadd.s32 @!p0 $0x100000, s0;
	[bflag:$0x2] =	sbarrier.arrive $0xFFFF  }
0x1b7: {  	[sflag:s0] =	ssyncadd.tile.s32 @!p0 $0x1;
	_ =	shalt  }
.Lfunc_end2:
_tile_overlayer_lowered:
.L_overlay_start_2:
0x1b8: {  	(tag) =	ssettag $0x2  }
0x1b9: {  	s0 =	rddreg [dreg:$0x0];
	s2 =	stileid.u32  }
0x1ba: {  	s1 =	rddreg [dreg:$0x1];
	p0 =	sne.s32 s2, $0x0  }
0x1bb: {  	s3 =	rddreg [dreg:$0x2];
	[bflag:$0x3] =	sbarrier.arrive $0xFFFF;
	s2 =	simm.s32 @!p0 $0x1C05  }
0x1bc: {  	[timem:s3], [sflag:s2] =	dma.local @!p0 [hbm:s0], s1  }
0x1bd: {  	s0 =	simm.s32 @!p0 $0x5  }
0x1be: {  	_ =	swait.ge @!p0 [sflag:s0], s1  }
0x1bf: {  	s1 =	ssub.s32 @!p0 $0x0, s1;
	[sflag:s0] =	ssyncset.done @!p0 $0x0  }
0x1c0: {  	[sflag:s0] =	ssyncadd.s32 @!p0 s1  }
0x1c1: {  	[bflag:$0x3] =	sbarrier.arrive $0xFFFF  }
0x1c2: {  	_ =	shalt  }

</sc_bundles>
